<compile_context>
chip_gen: v7x
topology: tpu7x:2x2x1
jax: 0.10.2.dev20260603
libtpu: 0.0.44.dev20260713+nightly
codegen_flags: <defaults>
</compile_context>

<pallas_src>
import functools

import jax
import jax.numpy as jnp
from jax import lax
from jax.experimental import pallas as pl
from jax.experimental.pallas import tpu as pltpu
from jax.experimental.pallas import tpu_sc as plsc

B = 4096
S = 200
E = 64
VOCAB = 1000000

NC = 2
NS = 16
NW = NC * NS
B_PER_W = B // NW
G = 8
HALF = S // 2


NCH = 2 * B_PER_W
K = 4
VB = 16384
EP = 128


def _transpose_body(t_ref, o_ref):
    a = t_ref[...]
    o_ref[:, pl.ds(0, E)] = a.T


def _transpose(tT):
    grid = (VOCAB + VB - 1) // VB
    return pl.pallas_call(
        _transpose_body,
        grid=(grid,),
        in_specs=[pl.BlockSpec((E, VB), lambda k: (0, k))],
        out_specs=pl.BlockSpec((VB, EP), lambda k: (k, 0)),
        out_shape=jax.ShapeDtypeStruct((VOCAB, EP), jnp.float32),
    )(tT)


def _pool_body(x2_hbm, table_hbm, out_hbm, idx_v, buf_v, out_v, s0, s1, s2, s3):
    wid = lax.axis_index("s") * NC + lax.axis_index("c")
    base = wid * B_PER_W
    sems = (s0, s1, s2, s3)

    pltpu.sync_copy(x2_hbm.at[pl.ds(base * 2, NCH)], idx_v)

    for k in range(K):
        pltpu.async_copy(table_hbm.at[idx_v.at[k]], buf_v.at[k], sems[k])

    def body(rr, carry):
        r0 = rr * 2
        for u in range(2):
            r = r0 + u
            accs = (jnp.zeros((16,), jnp.float32),) * 4
            for h in range(2):
                k = 2 * u + h
                j = 2 * r + h
                pltpu.make_async_copy(
                    table_hbm.at[idx_v.at[j]], buf_v.at[k], sems[k]
                ).wait()

                def red(i, accs, k=k):
                    return tuple(
                        accs[c] + buf_v[k, i, pl.ds(c * 16, 16)]
                        for c in range(4)
                    )

                accs = lax.fori_loop(0, HALF, red, accs)

                @pl.when(j + K < NCH)
                def _(j=j, k=k):
                    pltpu.async_copy(
                        table_hbm.at[idx_v.at[j + K]], buf_v.at[k], sems[k]
                    )

            for c in range(4):
                out_v[r, pl.ds(c * 16, 16)] = accs[c] * (1.0 / S)
        return carry

    lax.fori_loop(0, B_PER_W // 2, body, 0)
    pltpu.sync_copy(out_v, out_hbm.at[pl.ds(base, B_PER_W)])


def _pool(x2, table):
    mesh = plsc.VectorSubcoreMesh(core_axis_name="c", subcore_axis_name="s")
    fn = functools.partial(
        pl.kernel,
        out_type=jax.ShapeDtypeStruct((B, E), jnp.float32),
        mesh=mesh,
        scratch_types=[
            pltpu.VMEM((NCH, HALF), jnp.int32),
            pltpu.VMEM((K, HALF, E), jnp.float32),
            pltpu.VMEM((B_PER_W, E), jnp.float32),
            pltpu.SemaphoreType.DMA,
            pltpu.SemaphoreType.DMA,
            pltpu.SemaphoreType.DMA,
            pltpu.SemaphoreType.DMA,
        ],
        compiler_params=pltpu.CompilerParams(use_tc_tiling_on_sc=False),
    )(_pool_body)
    return fn(x2, table)


def _mlp_body(p_ref, w1, b1, w2, b2, w3, b3, o_ref):
    y = jnp.dot(p_ref[...], w1[...], preferred_element_type=jnp.float32)
    y = jnp.maximum(y + b1[...], 0.0)
    y = jnp.dot(y, w2[...], preferred_element_type=jnp.float32)
    y = jnp.maximum(y + b2[...], 0.0)
    o_ref[...] = jnp.dot(y, w3[...], preferred_element_type=jnp.float32) + b3[...]


def _mlp(pooled, W1, b1, W2, b2, W3, b3):
    nc = W3.shape[1]
    return pl.pallas_call(
        _mlp_body,
        out_shape=jax.ShapeDtypeStruct((B, nc), jnp.float32),
    )(pooled, W1, b1.reshape(1, -1), W2, b2.reshape(1, -1), W3, b3.reshape(1, -1))


@jax.jit
def kernel(x, table, W1, b1, W2, b2, W3, b3):
    x2 = x.reshape(B * 2, HALF) * 2
    t2 = _transpose(table.T).reshape(2 * VOCAB, E)
    pooled = _pool(x2, t2)
    return _mlp(pooled, W1, b1, W2, b2, W3, b3)

# --- scband reference (transcript-rebuilt; emitter-appended) ---
"""Pipeline reference for scband-fast-text-mlp-57698590655179 (READ-ONLY COPY).

The authoritative reference and input builder live on the scoring server;
editing this copy changes nothing except your own understanding.
"""

import jax, jax.numpy as jnp
import numpy as np

VOCAB = 1000000
EMBED = 64
L1 = 32
L2 = 8
NUM_CLASSES = 10
BATCH = 4096
SEQ = 200


def setup_inputs(seed: int = 0) -> dict:
    key = jax.random.key(seed)
    ks = jax.random.split(key, 8)
    x = jax.random.randint(ks[0], (BATCH, SEQ), 0, VOCAB, dtype=jnp.int64 if jax.config.jax_enable_x64 else jnp.int32)
    x = x.astype(jnp.int32)
    table = jax.random.normal(ks[1], (VOCAB, EMBED), dtype=jnp.float32) * 0.02
    table = table.at[0].set(0.0)  # padding_idx=0
    W1 = jax.random.normal(ks[2], (EMBED, L1), dtype=jnp.float32) * (1.0 / np.sqrt(EMBED))
    b1 = jnp.zeros((L1,), dtype=jnp.float32)
    W2 = jax.random.normal(ks[3], (L1, L2), dtype=jnp.float32) * (1.0 / np.sqrt(L1))
    b2 = jnp.zeros((L2,), dtype=jnp.float32)
    W3 = jax.random.normal(ks[4], (L2, NUM_CLASSES), dtype=jnp.float32) * (1.0 / np.sqrt(L2))
    b3 = jnp.zeros((NUM_CLASSES,), dtype=jnp.float32)
    return {"x": x, "table": table, "W1": W1, "b1": b1, "W2": W2, "b2": b2, "W3": W3, "b3": b3}


def reference(x, table, W1, b1, W2, b2, W3, b3):
    # embedding lookup (gather)
    o1 = jnp.take(table, x, axis=0)            # [B, S, E]
    o2 = jnp.mean(o1, axis=1)                  # [B, E]
    y = jnp.maximum(o2 @ W1 + b1, 0.0)         # [B, L1]
    y = jnp.maximum(y @ W2 + b2, 0.0)          # [B, L2]
    y = y @ W3 + b3                            # [B, num_classes]
    return y

if __name__ == "__main__":
    import jax
    _d = setup_inputs()
    print(jax.jit(kernel)(*tuple(_d.values())))

</pallas_src>

<mosaic_0001>
#map = affine_map<(d0, d1) -> (0, 0)>
module attributes {stable_mosaic.version = 14 : i64} {
  func.func @_pool_body(%arg0: i32, %arg1: i32, %arg2: memref<8192x100xi32, #tpu.memory_space<hbm>>, %arg3: memref<2000000x64xf32, #tpu.memory_space<hbm>>, %arg4: memref<4096x64xf32, #tpu.memory_space<hbm>>, %arg5: memref<256x100xi32, #tpu.memory_space<vmem>>, %arg6: memref<4x100x64xf32, #tpu.memory_space<vmem>>, %arg7: memref<128x64xf32, #tpu.memory_space<vmem>>, %arg8: memref<!tpu.dma_semaphore, #tpu.memory_space<semaphore_mem>>, %arg9: memref<!tpu.dma_semaphore, #tpu.memory_space<semaphore_mem>>, %arg10: memref<!tpu.dma_semaphore, #tpu.memory_space<semaphore_mem>>, %arg11: memref<!tpu.dma_semaphore, #tpu.memory_space<semaphore_mem>>) attributes {dimension_semantics = [#tpu.dimension_semantics<core_parallel>, #tpu.dimension_semantics<subcore_parallel>], iteration_bounds = array<i64: 2, 16>, scalar_prefetch = 0 : i64, scratch_operands = 7 : i64, tpu.core_type = #tpu.core_type<sc_vector_subcore>, window_params = [{transform_indices = #map}, {transform_indices = #map}, {transform_indices = #map}]} {
    %mul3A = arith.constant 2 : i32
    %mul3A_0 = arith.muli %arg1, %mul3A : i32
    %add3A = arith.addi %mul3A_0, %arg0 : i32
    %mul3A_1 = arith.constant 128 : i32
    %mul3A_2 = arith.muli %add3A, %mul3A_1 : i32
    %mul3A_3 = arith.constant 2 : i32
    %mul3A_4 = arith.muli %mul3A_2, %mul3A_3 : i32
    "tpu.region"() ({
      %run_scoped3A = tpu.sem_alloc : memref<!tpu.dma_semaphore, #tpu.memory_space<semaphore_mem>>
      %dma_start3A_57 = arith.constant 0 : i32
      %dma_start3A_58 = tpu.memref_slice %arg2[%mul3A_4, %dma_start3A_57] : memref<8192x100xi32, #tpu.memory_space<hbm>> -> memref<256x100xi32, #tpu.memory_space<hbm>>
      %dma_start3A_59 = arith.constant 0 : i32
      %dma_start3A_60 = tpu.memref_slice %arg2[%mul3A_4, %dma_start3A_59] : memref<8192x100xi32, #tpu.memory_space<hbm>> -> memref<256x100xi32, #tpu.memory_space<hbm>>
      tpu.enqueue_dma source(%dma_start3A_60 : memref<256x100xi32, #tpu.memory_space<hbm>>) target(%arg5 : memref<256x100xi32, #tpu.memory_space<vmem>>) target_semaphore(%run_scoped3A : memref<!tpu.dma_semaphore, #tpu.memory_space<semaphore_mem>>)
      %dma_wait3A = arith.constant 0 : i32
      %dma_wait3A_61 = tpu.memref_slice %arg2[%mul3A_4, %dma_wait3A] : memref<8192x100xi32, #tpu.memory_space<hbm>> -> memref<256x100xi32, #tpu.memory_space<hbm>>
      %dma_wait3A_62 = arith.constant 0 : i32
      %dma_wait3A_63 = tpu.memref_slice %arg2[%mul3A_4, %dma_wait3A_62] : memref<8192x100xi32, #tpu.memory_space<hbm>> -> memref<256x100xi32, #tpu.memory_space<hbm>>
      tpu.wait_dma2 semaphore(%run_scoped3A : memref<!tpu.dma_semaphore, #tpu.memory_space<semaphore_mem>>) src(%dma_wait3A_63 : memref<256x100xi32, #tpu.memory_space<hbm>>) dst(%arg5 : memref<256x100xi32, #tpu.memory_space<vmem>>)
      tpu.yield
    }) : () -> ()
    %dma_start3A = arith.constant 0 : i32
    %dma_start3A_5 = arith.constant 0 : i32
    %dma_start3A_6 = arith.constant 0 : i32
    %dma_start3A_7 = arith.constant 0 : i32
    %dma_start3A_8 = tpu.memref_slice %arg6[%dma_start3A_5, %dma_start3A_6, %dma_start3A_7] : memref<4x100x64xf32, #tpu.memory_space<vmem>> -> memref<1x100x64xf32, #tpu.memory_space<vmem>>
    %dma_start3A_9 = tpu.memref_squeeze %dma_start3A_8 : memref<1x100x64xf32, #tpu.memory_space<vmem>> -> memref<100x64xf32, #tpu.memory_space<vmem>>
    %dma_start3A_10 = arith.constant 0 : i32
    %dma_start3A_11 = tpu.memref_slice %arg5[%dma_start3A, %dma_start3A_10] : memref<256x100xi32, #tpu.memory_space<vmem>> -> memref<1x100xi32, #tpu.memory_space<vmem>>
    %dma_start3A_12 = tpu.memref_squeeze %dma_start3A_11 : memref<1x100xi32, #tpu.memory_space<vmem>> -> memref<100xi32, #tpu.memory_space<vmem>>
    %dma_start3A_13 = arith.constant 0 : i32
    %dma_start3A_14 = arith.constant 0 : i32
    %dma_start3A_15 = tpu.memref_slice %arg3[%dma_start3A_13, %dma_start3A_14] : memref<2000000x64xf32, #tpu.memory_space<hbm>> -> memref<2000000x64xf32, #tpu.memory_space<hbm>>
    tpu.enqueue_indirect_dma source(%dma_start3A_15 : memref<2000000x64xf32, #tpu.memory_space<hbm>>) target(%dma_start3A_9 : memref<100x64xf32, #tpu.memory_space<vmem>>) offsets(%dma_start3A_12 : memref<100xi32, #tpu.memory_space<vmem>>) semaphore(%arg8 : memref<!tpu.dma_semaphore, #tpu.memory_space<semaphore_mem>>)
    %dma_start3A_16 = arith.constant 1 : i32
    %dma_start3A_17 = arith.constant 1 : i32
    %dma_start3A_18 = arith.constant 0 : i32
    %dma_start3A_19 = arith.constant 0 : i32
    %dma_start3A_20 = tpu.memref_slice %arg6[%dma_start3A_17, %dma_start3A_18, %dma_start3A_19] : memref<4x100x64xf32, #tpu.memory_space<vmem>> -> memref<1x100x64xf32, #tpu.memory_space<vmem>>
    %dma_start3A_21 = tpu.memref_squeeze %dma_start3A_20 : memref<1x100x64xf32, #tpu.memory_space<vmem>> -> memref<100x64xf32, #tpu.memory_space<vmem>>
    %dma_start3A_22 = arith.constant 0 : i32
    %dma_start3A_23 = tpu.memref_slice %arg5[%dma_start3A_16, %dma_start3A_22] : memref<256x100xi32, #tpu.memory_space<vmem>> -> memref<1x100xi32, #tpu.memory_space<vmem>>
    %dma_start3A_24 = tpu.memref_squeeze %dma_start3A_23 : memref<1x100xi32, #tpu.memory_space<vmem>> -> memref<100xi32, #tpu.memory_space<vmem>>
    %dma_start3A_25 = arith.constant 0 : i32
    %dma_start3A_26 = arith.constant 0 : i32
    %dma_start3A_27 = tpu.memref_slice %arg3[%dma_start3A_25, %dma_start3A_26] : memref<2000000x64xf32, #tpu.memory_space<hbm>> -> memref<2000000x64xf32, #tpu.memory_space<hbm>>
    tpu.enqueue_indirect_dma source(%dma_start3A_27 : memref<2000000x64xf32, #tpu.memory_space<hbm>>) target(%dma_start3A_21 : memref<100x64xf32, #tpu.memory_space<vmem>>) offsets(%dma_start3A_24 : memref<100xi32, #tpu.memory_space<vmem>>) semaphore(%arg9 : memref<!tpu.dma_semaphore, #tpu.memory_space<semaphore_mem>>)
    %dma_start3A_28 = arith.constant 2 : i32
    %dma_start3A_29 = arith.constant 2 : i32
    %dma_start3A_30 = arith.constant 0 : i32
    %dma_start3A_31 = arith.constant 0 : i32
    %dma_start3A_32 = tpu.memref_slice %arg6[%dma_start3A_29, %dma_start3A_30, %dma_start3A_31] : memref<4x100x64xf32, #tpu.memory_space<vmem>> -> memref<1x100x64xf32, #tpu.memory_space<vmem>>
    %dma_start3A_33 = tpu.memref_squeeze %dma_start3A_32 : memref<1x100x64xf32, #tpu.memory_space<vmem>> -> memref<100x64xf32, #tpu.memory_space<vmem>>
    %dma_start3A_34 = arith.constant 0 : i32
    %dma_start3A_35 = tpu.memref_slice %arg5[%dma_start3A_28, %dma_start3A_34] : memref<256x100xi32, #tpu.memory_space<vmem>> -> memref<1x100xi32, #tpu.memory_space<vmem>>
    %dma_start3A_36 = tpu.memref_squeeze %dma_start3A_35 : memref<1x100xi32, #tpu.memory_space<vmem>> -> memref<100xi32, #tpu.memory_space<vmem>>
    %dma_start3A_37 = arith.constant 0 : i32
    %dma_start3A_38 = arith.constant 0 : i32
    %dma_start3A_39 = tpu.memref_slice %arg3[%dma_start3A_37, %dma_start3A_38] : memref<2000000x64xf32, #tpu.memory_space<hbm>> -> memref<2000000x64xf32, #tpu.memory_space<hbm>>
    tpu.enqueue_indirect_dma source(%dma_start3A_39 : memref<2000000x64xf32, #tpu.memory_space<hbm>>) target(%dma_start3A_33 : memref<100x64xf32, #tpu.memory_space<vmem>>) offsets(%dma_start3A_36 : memref<100xi32, #tpu.memory_space<vmem>>) semaphore(%arg10 : memref<!tpu.dma_semaphore, #tpu.memory_space<semaphore_mem>>)
    %dma_start3A_40 = arith.constant 3 : i32
    %dma_start3A_41 = arith.constant 3 : i32
    %dma_start3A_42 = arith.constant 0 : i32
    %dma_start3A_43 = arith.constant 0 : i32
    %dma_start3A_44 = tpu.memref_slice %arg6[%dma_start3A_41, %dma_start3A_42, %dma_start3A_43] : memref<4x100x64xf32, #tpu.memory_space<vmem>> -> memref<1x100x64xf32, #tpu.memory_space<vmem>>
    %dma_start3A_45 = tpu.memref_squeeze %dma_start3A_44 : memref<1x100x64xf32, #tpu.memory_space<vmem>> -> memref<100x64xf32, #tpu.memory_space<vmem>>
    %dma_start3A_46 = arith.constant 0 : i32
    %dma_start3A_47 = tpu.memref_slice %arg5[%dma_start3A_40, %dma_start3A_46] : memref<256x100xi32, #tpu.memory_space<vmem>> -> memref<1x100xi32, #tpu.memory_space<vmem>>
    %dma_start3A_48 = tpu.memref_squeeze %dma_start3A_47 : memref<1x100xi32, #tpu.memory_space<vmem>> -> memref<100xi32, #tpu.memory_space<vmem>>
    %dma_start3A_49 = arith.constant 0 : i32
    %dma_start3A_50 = arith.constant 0 : i32
    %dma_start3A_51 = tpu.memref_slice %arg3[%dma_start3A_49, %dma_start3A_50] : memref<2000000x64xf32, #tpu.memory_space<hbm>> -> memref<2000000x64xf32, #tpu.memory_space<hbm>>
    tpu.enqueue_indirect_dma source(%dma_start3A_51 : memref<2000000x64xf32, #tpu.memory_space<hbm>>) target(%dma_start3A_45 : memref<100x64xf32, #tpu.memory_space<vmem>>) offsets(%dma_start3A_48 : memref<100xi32, #tpu.memory_space<vmem>>) semaphore(%arg11 : memref<!tpu.dma_semaphore, #tpu.memory_space<semaphore_mem>>)
    %scan3A = arith.constant 0 : i32
    %scan3A_52 = arith.constant 0 : i32
    %scan3A_53 = arith.constant 64 : i32
    %scan3A_54 = arith.addi %scan3A_52, %scan3A_53 : i32
    %scan3A_55 = arith.constant 1 : i32
    scf.for %scan3A_57 = %scan3A_52 to %scan3A_54 step %scan3A_55  : i32 {
      %mul3A_58 = arith.constant 2 : i32
      %mul3A_59 = arith.muli %scan3A_57, %mul3A_58 : i32
      %add3A_60 = arith.constant 0 : i32
      %add3A_61 = arith.addi %mul3A_59, %add3A_60 : i32
      %broadcast_in_dim3A = arith.constant 0.000000e+00 : f32
      %broadcast_in_dim3A_62 = vector.broadcast %broadcast_in_dim3A : f32 to vector<16xf32>
      %mul3A_63 = arith.constant 2 : i32
      %mul3A_64 = arith.muli %mul3A_63, %add3A_61 : i32
      %add3A_65 = arith.constant 0 : i32
      %add3A_66 = arith.addi %mul3A_64, %add3A_65 : i32
      %dma_wait3A = arith.constant 0 : i32
      %dma_wait3A_67 = arith.constant 0 : i32
      %dma_wait3A_68 = arith.constant 0 : i32
      %dma_wait3A_69 = tpu.memref_slice %arg6[%dma_wait3A, %dma_wait3A_67, %dma_wait3A_68] : memref<4x100x64xf32, #tpu.memory_space<vmem>> -> memref<1x100x64xf32, #tpu.memory_space<vmem>>
      %dma_wait3A_70 = tpu.memref_squeeze %dma_wait3A_69 : memref<1x100x64xf32, #tpu.memory_space<vmem>> -> memref<100x64xf32, #tpu.memory_space<vmem>>
      %dma_wait3A_71 = arith.constant 0 : i32
      %dma_wait3A_72 = tpu.memref_slice %arg5[%add3A_66, %dma_wait3A_71] : memref<256x100xi32, #tpu.memory_space<vmem>> -> memref<1x100xi32, #tpu.memory_space<vmem>>
      %dma_wait3A_73 = tpu.memref_squeeze %dma_wait3A_72 : memref<1x100xi32, #tpu.memory_space<vmem>> -> memref<100xi32, #tpu.memory_space<vmem>>
      %dma_wait3A_74 = arith.constant 0 : i32
      %dma_wait3A_75 = arith.constant 0 : i32
      %dma_wait3A_76 = tpu.memref_slice %arg3[%dma_wait3A_74, %dma_wait3A_75] : memref<2000000x64xf32, #tpu.memory_space<hbm>> -> memref<2000000x64xf32, #tpu.memory_space<hbm>>
      tpu.wait_indirect_dma semaphore(%arg8 : memref<!tpu.dma_semaphore, #tpu.memory_space<semaphore_mem>>) src(%dma_wait3A_76 : memref<2000000x64xf32, #tpu.memory_space<hbm>>) dst(%dma_wait3A_70 : memref<100x64xf32, #tpu.memory_space<vmem>>)
      %scan3A_77 = arith.constant 0 : i32
      %scan3A_78 = arith.constant 100 : i32
      %scan3A_79 = arith.addi %scan3A_77, %scan3A_78 : i32
      %scan3A_80 = arith.constant 1 : i32
      %scan3A_81:4 = scf.for %scan3A_238 = %scan3A_77 to %scan3A_79 step %scan3A_80 iter_args(%scan3A_239 = %broadcast_in_dim3A_62, %scan3A_240 = %broadcast_in_dim3A_62, %scan3A_241 = %broadcast_in_dim3A_62, %scan3A_242 = %broadcast_in_dim3A_62) -> (vector<16xf32>, vector<16xf32>, vector<16xf32>, vector<16xf32>)  : i32 {
        %get3A = arith.constant 0 : i32
        %get3A_243 = arith.index_cast %get3A : i32 to index
        %get3A_244 = arith.index_cast %scan3A_238 : i32 to index
        %get3A_245 = arith.constant 0 : index
        %get3A_246 = tpu.vector_load %arg6[%get3A_243, %get3A_244, %get3A_245] {strides = array<i32>} : memref<4x100x64xf32, #tpu.memory_space<vmem>>, vector<1x1x16xf32>,
        %get3A_247 = vector.shape_cast %get3A_246 : vector<1x1x16xf32> to vector<16xf32>
        %add3A_248 = arith.addf %scan3A_239, %get3A_247 : vector<16xf32>
        %get3A_249 = arith.constant 0 : i32
        %get3A_250 = arith.index_cast %get3A_249 : i32 to index
        %get3A_251 = arith.index_cast %scan3A_238 : i32 to index
        %get3A_252 = arith.constant 16 : index
        %get3A_253 = tpu.vector_load %arg6[%get3A_250, %get3A_251, %get3A_252] {strides = array<i32>} : memref<4x100x64xf32, #tpu.memory_space<vmem>>, vector<1x1x16xf32>,
        %get3A_254 = vector.shape_cast %get3A_253 : vector<1x1x16xf32> to vector<16xf32>
        %add3A_255 = arith.addf %scan3A_240, %get3A_254 : vector<16xf32>
        %get3A_256 = arith.constant 0 : i32
        %get3A_257 = arith.index_cast %get3A_256 : i32 to index
        %get3A_258 = arith.index_cast %scan3A_238 : i32 to index
        %get3A_259 = arith.constant 32 : index
        %get3A_260 = tpu.vector_load %arg6[%get3A_257, %get3A_258, %get3A_259] {strides = array<i32>} : memref<4x100x64xf32, #tpu.memory_space<vmem>>, vector<1x1x16xf32>,
        %get3A_261 = vector.shape_cast %get3A_260 : vector<1x1x16xf32> to vector<16xf32>
        %add3A_262 = arith.addf %scan3A_241, %get3A_261 : vector<16xf32>
        %get3A_263 = arith.constant 0 : i32
        %get3A_264 = arith.index_cast %get3A_263 : i32 to index
        %get3A_265 = arith.index_cast %scan3A_238 : i32 to index
        %get3A_266 = arith.constant 48 : index
        %get3A_267 = tpu.vector_load %arg6[%get3A_264, %get3A_265, %get3A_266] {strides = array<i32>} : memref<4x100x64xf32, #tpu.memory_space<vmem>>, vector<1x1x16xf32>,
        %get3A_268 = vector.shape_cast %get3A_267 : vector<1x1x16xf32> to vector<16xf32>
        %add3A_269 = arith.addf %scan3A_242, %get3A_268 : vector<16xf32>
        scf.yield %add3A_248, %add3A_255, %add3A_262, %add3A_269 : vector<16xf32>, vector<16xf32>, vector<16xf32>, vector<16xf32>
      }
      %scan3A_82 = arith.constant 100 : i32
      %add3A_83 = arith.constant 4 : i32
      %add3A_84 = arith.addi %add3A_66, %add3A_83 : i32
      %lt3A = arith.constant 256 : i32
      %lt3A_85 = arith.cmpi slt, %add3A_84, %lt3A : i32
      %convert_element_type3A = arith.extui %lt3A_85 : i1 to i32
      %cond3A = arith.constant 0 : i32
      %cond3A_86 = arith.cmpi ne, %convert_element_type3A, %cond3A : i32
      scf.if %cond3A_86 {
        %add3A_238 = arith.constant 4 : i32
        %add3A_239 = arith.addi %add3A_66, %add3A_238 : i32
        %dma_start3A_240 = arith.constant 0 : i32
        %dma_start3A_241 = arith.constant 0 : i32
        %dma_start3A_242 = arith.constant 0 : i32
        %dma_start3A_243 = tpu.memref_slice %arg6[%dma_start3A_240, %dma_start3A_241, %dma_start3A_242] : memref<4x100x64xf32, #tpu.memory_space<vmem>> -> memref<1x100x64xf32, #tpu.memory_space<vmem>>
        %dma_start3A_244 = tpu.memref_squeeze %dma_start3A_243 : memref<1x100x64xf32, #tpu.memory_space<vmem>> -> memref<100x64xf32, #tpu.memory_space<vmem>>
        %dma_start3A_245 = arith.constant 0 : i32
        %dma_start3A_246 = tpu.memref_slice %arg5[%add3A_239, %dma_start3A_245] : memref<256x100xi32, #tpu.memory_space<vmem>> -> memref<1x100xi32, #tpu.memory_space<vmem>>
        %dma_start3A_247 = tpu.memref_squeeze %dma_start3A_246 : memref<1x100xi32, #tpu.memory_space<vmem>> -> memref<100xi32, #tpu.memory_space<vmem>>
        %dma_start3A_248 = arith.constant 0 : i32
        %dma_start3A_249 = arith.constant 0 : i32
        %dma_start3A_250 = tpu.memref_slice %arg3[%dma_start3A_248, %dma_start3A_249] : memref<2000000x64xf32, #tpu.memory_space<hbm>> -> memref<2000000x64xf32, #tpu.memory_space<hbm>>
        tpu.enqueue_indirect_dma source(%dma_start3A_250 : memref<2000000x64xf32, #tpu.memory_space<hbm>>) target(%dma_start3A_244 : memref<100x64xf32, #tpu.memory_space<vmem>>) offsets(%dma_start3A_247 : memref<100xi32, #tpu.memory_space<vmem>>) semaphore(%arg8 : memref<!tpu.dma_semaphore, #tpu.memory_space<semaphore_mem>>)
      } else {
      }
      %mul3A_87 = arith.constant 2 : i32
      %mul3A_88 = arith.muli %mul3A_87, %add3A_61 : i32
      %add3A_89 = arith.constant 1 : i32
      %add3A_90 = arith.addi %mul3A_88, %add3A_89 : i32
      %dma_wait3A_91 = arith.constant 1 : i32
      %dma_wait3A_92 = arith.constant 0 : i32
      %dma_wait3A_93 = arith.constant 0 : i32
      %dma_wait3A_94 = tpu.memref_slice %arg6[%dma_wait3A_91, %dma_wait3A_92, %dma_wait3A_93] : memref<4x100x64xf32, #tpu.memory_space<vmem>> -> memref<1x100x64xf32, #tpu.memory_space<vmem>>
      %dma_wait3A_95 = tpu.memref_squeeze %dma_wait3A_94 : memref<1x100x64xf32, #tpu.memory_space<vmem>> -> memref<100x64xf32, #tpu.memory_space<vmem>>
      %dma_wait3A_96 = arith.constant 0 : i32
      %dma_wait3A_97 = tpu.memref_slice %arg5[%add3A_90, %dma_wait3A_96] : memref<256x100xi32, #tpu.memory_space<vmem>> -> memref<1x100xi32, #tpu.memory_space<vmem>>
      %dma_wait3A_98 = tpu.memref_squeeze %dma_wait3A_97 : memref<1x100xi32, #tpu.memory_space<vmem>> -> memref<100xi32, #tpu.memory_space<vmem>>
      %dma_wait3A_99 = arith.constant 0 : i32
      %dma_wait3A_100 = arith.constant 0 : i32
      %dma_wait3A_101 = tpu.memref_slice %arg3[%dma_wait3A_99, %dma_wait3A_100] : memref<2000000x64xf32, #tpu.memory_space<hbm>> -> memref<2000000x64xf32, #tpu.memory_space<hbm>>
      tpu.wait_indirect_dma semaphore(%arg9 : memref<!tpu.dma_semaphore, #tpu.memory_space<semaphore_mem>>) src(%dma_wait3A_101 : memref<2000000x64xf32, #tpu.memory_space<hbm>>) dst(%dma_wait3A_95 : memref<100x64xf32, #tpu.memory_space<vmem>>)
      %scan3A_102 = arith.constant 0 : i32
      %scan3A_103 = arith.constant 100 : i32
      %scan3A_104 = arith.addi %scan3A_102, %scan3A_103 : i32
      %scan3A_105 = arith.constant 1 : i32
      %scan3A_106:4 = scf.for %scan3A_238 = %scan3A_102 to %scan3A_104 step %scan3A_105 iter_args(%scan3A_239 = %scan3A_81#0, %scan3A_240 = %scan3A_81#1, %scan3A_241 = %scan3A_81#2, %scan3A_242 = %scan3A_81#3) -> (vector<16xf32>, vector<16xf32>, vector<16xf32>, vector<16xf32>)  : i32 {
        %get3A = arith.constant 1 : i32
        %get3A_243 = arith.index_cast %get3A : i32 to index
        %get3A_244 = arith.index_cast %scan3A_238 : i32 to index
        %get3A_245 = arith.constant 0 : index
        %get3A_246 = tpu.vector_load %arg6[%get3A_243, %get3A_244, %get3A_245] {strides = array<i32>} : memref<4x100x64xf32, #tpu.memory_space<vmem>>, vector<1x1x16xf32>,
        %get3A_247 = vector.shape_cast %get3A_246 : vector<1x1x16xf32> to vector<16xf32>
        %add3A_248 = arith.addf %scan3A_239, %get3A_247 : vector<16xf32>
        %get3A_249 = arith.constant 1 : i32
        %get3A_250 = arith.index_cast %get3A_249 : i32 to index
        %get3A_251 = arith.index_cast %scan3A_238 : i32 to index
        %get3A_252 = arith.constant 16 : index
        %get3A_253 = tpu.vector_load %arg6[%get3A_250, %get3A_251, %get3A_252] {strides = array<i32>} : memref<4x100x64xf32, #tpu.memory_space<vmem>>, vector<1x1x16xf32>,
        %get3A_254 = vector.shape_cast %get3A_253 : vector<1x1x16xf32> to vector<16xf32>
        %add3A_255 = arith.addf %scan3A_240, %get3A_254 : vector<16xf32>
        %get3A_256 = arith.constant 1 : i32
        %get3A_257 = arith.index_cast %get3A_256 : i32 to index
        %get3A_258 = arith.index_cast %scan3A_238 : i32 to index
        %get3A_259 = arith.constant 32 : index
        %get3A_260 = tpu.vector_load %arg6[%get3A_257, %get3A_258, %get3A_259] {strides = array<i32>} : memref<4x100x64xf32, #tpu.memory_space<vmem>>, vector<1x1x16xf32>,
        %get3A_261 = vector.shape_cast %get3A_260 : vector<1x1x16xf32> to vector<16xf32>
        %add3A_262 = arith.addf %scan3A_241, %get3A_261 : vector<16xf32>
        %get3A_263 = arith.constant 1 : i32
        %get3A_264 = arith.index_cast %get3A_263 : i32 to index
        %get3A_265 = arith.index_cast %scan3A_238 : i32 to index
        %get3A_266 = arith.constant 48 : index
        %get3A_267 = tpu.vector_load %arg6[%get3A_264, %get3A_265, %get3A_266] {strides = array<i32>} : memref<4x100x64xf32, #tpu.memory_space<vmem>>, vector<1x1x16xf32>,
        %get3A_268 = vector.shape_cast %get3A_267 : vector<1x1x16xf32> to vector<16xf32>
        %add3A_269 = arith.addf %scan3A_242, %get3A_268 : vector<16xf32>
        scf.yield %add3A_248, %add3A_255, %add3A_262, %add3A_269 : vector<16xf32>, vector<16xf32>, vector<16xf32>, vector<16xf32>
      }
      %scan3A_107 = arith.constant 100 : i32
      %add3A_108 = arith.constant 4 : i32
      %add3A_109 = arith.addi %add3A_90, %add3A_108 : i32
      %lt3A_110 = arith.constant 256 : i32
      %lt3A_111 = arith.cmpi slt, %add3A_109, %lt3A_110 : i32
      %convert_element_type3A_112 = arith.extui %lt3A_111 : i1 to i32
      %cond3A_113 = arith.constant 0 : i32
      %cond3A_114 = arith.cmpi ne, %convert_element_type3A_112, %cond3A_113 : i32
      scf.if %cond3A_114 {
        %add3A_238 = arith.constant 4 : i32
        %add3A_239 = arith.addi %add3A_90, %add3A_238 : i32
        %dma_start3A_240 = arith.constant 1 : i32
        %dma_start3A_241 = arith.constant 0 : i32
        %dma_start3A_242 = arith.constant 0 : i32
        %dma_start3A_243 = tpu.memref_slice %arg6[%dma_start3A_240, %dma_start3A_241, %dma_start3A_242] : memref<4x100x64xf32, #tpu.memory_space<vmem>> -> memref<1x100x64xf32, #tpu.memory_space<vmem>>
        %dma_start3A_244 = tpu.memref_squeeze %dma_start3A_243 : memref<1x100x64xf32, #tpu.memory_space<vmem>> -> memref<100x64xf32, #tpu.memory_space<vmem>>
        %dma_start3A_245 = arith.constant 0 : i32
        %dma_start3A_246 = tpu.memref_slice %arg5[%add3A_239, %dma_start3A_245] : memref<256x100xi32, #tpu.memory_space<vmem>> -> memref<1x100xi32, #tpu.memory_space<vmem>>
        %dma_start3A_247 = tpu.memref_squeeze %dma_start3A_246 : memref<1x100xi32, #tpu.memory_space<vmem>> -> memref<100xi32, #tpu.memory_space<vmem>>
        %dma_start3A_248 = arith.constant 0 : i32
        %dma_start3A_249 = arith.constant 0 : i32
        %dma_start3A_250 = tpu.memref_slice %arg3[%dma_start3A_248, %dma_start3A_249] : memref<2000000x64xf32, #tpu.memory_space<hbm>> -> memref<2000000x64xf32, #tpu.memory_space<hbm>>
        tpu.enqueue_indirect_dma source(%dma_start3A_250 : memref<2000000x64xf32, #tpu.memory_space<hbm>>) target(%dma_start3A_244 : memref<100x64xf32, #tpu.memory_space<vmem>>) offsets(%dma_start3A_247 : memref<100xi32, #tpu.memory_space<vmem>>) semaphore(%arg9 : memref<!tpu.dma_semaphore, #tpu.memory_space<semaphore_mem>>)
      } else {
      }
      %mul3A_115 = arith.constant 5.000000e-03 : f32
      %mul3A_116 = vector.broadcast %mul3A_115 : f32 to vector<16xf32>
      %mul3A_117 = arith.mulf %scan3A_106#0, %mul3A_116 : vector<16xf32>
      %swap3A = arith.index_cast %add3A_61 : i32 to index
      %swap3A_118 = arith.constant 0 : index
      %swap3A_119 = tpu.vector_load %arg7[%swap3A, %swap3A_118] {strides = array<i32>} : memref<128x64xf32, #tpu.memory_space<vmem>>, vector<1x16xf32>,
      %swap3A_120 = vector.shape_cast %swap3A_119 : vector<1x16xf32> to vector<16xf32>
      %swap3A_121 = vector.shape_cast %mul3A_117 : vector<16xf32> to vector<1x16xf32>
      tpu.vector_store %arg7[%swap3A, %swap3A_118], %swap3A_121 {strides = array<i32>} : memref<128x64xf32, #tpu.memory_space<vmem>>, vector<1x16xf32>,
      %mul3A_122 = arith.constant 5.000000e-03 : f32
      %mul3A_123 = vector.broadcast %mul3A_122 : f32 to vector<16xf32>
      %mul3A_124 = arith.mulf %scan3A_106#1, %mul3A_123 : vector<16xf32>
      %swap3A_125 = arith.index_cast %add3A_61 : i32 to index
      %swap3A_126 = arith.constant 16 : index
      %swap3A_127 = tpu.vector_load %arg7[%swap3A_125, %swap3A_126] {strides = array<i32>} : memref<128x64xf32, #tpu.memory_space<vmem>>, vector<1x16xf32>,
      %swap3A_128 = vector.shape_cast %swap3A_127 : vector<1x16xf32> to vector<16xf32>
      %swap3A_129 = vector.shape_cast %mul3A_124 : vector<16xf32> to vector<1x16xf32>
      tpu.vector_store %arg7[%swap3A_125, %swap3A_126], %swap3A_129 {strides = array<i32>} : memref<128x64xf32, #tpu.memory_space<vmem>>, vector<1x16xf32>,
      %mul3A_130 = arith.constant 5.000000e-03 : f32
      %mul3A_131 = vector.broadcast %mul3A_130 : f32 to vector<16xf32>
      %mul3A_132 = arith.mulf %scan3A_106#2, %mul3A_131 : vector<16xf32>
      %swap3A_133 = arith.index_cast %add3A_61 : i32 to index
      %swap3A_134 = arith.constant 32 : index
      %swap3A_135 = tpu.vector_load %arg7[%swap3A_133, %swap3A_134] {strides = array<i32>} : memref<128x64xf32, #tpu.memory_space<vmem>>, vector<1x16xf32>,
      %swap3A_136 = vector.shape_cast %swap3A_135 : vector<1x16xf32> to vector<16xf32>
      %swap3A_137 = vector.shape_cast %mul3A_132 : vector<16xf32> to vector<1x16xf32>
      tpu.vector_store %arg7[%swap3A_133, %swap3A_134], %swap3A_137 {strides = array<i32>} : memref<128x64xf32, #tpu.memory_space<vmem>>, vector<1x16xf32>,
      %mul3A_138 = arith.constant 5.000000e-03 : f32
      %mul3A_139 = vector.broadcast %mul3A_138 : f32 to vector<16xf32>
      %mul3A_140 = arith.mulf %scan3A_106#3, %mul3A_139 : vector<16xf32>
      %swap3A_141 = arith.index_cast %add3A_61 : i32 to index
      %swap3A_142 = arith.constant 48 : index
      %swap3A_143 = tpu.vector_load %arg7[%swap3A_141, %swap3A_142] {strides = array<i32>} : memref<128x64xf32, #tpu.memory_space<vmem>>, vector<1x16xf32>,
      %swap3A_144 = vector.shape_cast %swap3A_143 : vector<1x16xf32> to vector<16xf32>
      %swap3A_145 = vector.shape_cast %mul3A_140 : vector<16xf32> to vector<1x16xf32>
      tpu.vector_store %arg7[%swap3A_141, %swap3A_142], %swap3A_145 {strides = array<i32>} : memref<128x64xf32, #tpu.memory_space<vmem>>, vector<1x16xf32>,
      %add3A_146 = arith.constant 1 : i32
      %add3A_147 = arith.addi %mul3A_59, %add3A_146 : i32
      %broadcast_in_dim3A_148 = arith.constant 0.000000e+00 : f32
      %broadcast_in_dim3A_149 = vector.broadcast %broadcast_in_dim3A_148 : f32 to vector<16xf32>
      %mul3A_150 = arith.constant 2 : i32
      %mul3A_151 = arith.muli %mul3A_150, %add3A_147 : i32
      %add3A_152 = arith.constant 0 : i32
      %add3A_153 = arith.addi %mul3A_151, %add3A_152 : i32
      %dma_wait3A_154 = arith.constant 2 : i32
      %dma_wait3A_155 = arith.constant 0 : i32
      %dma_wait3A_156 = arith.constant 0 : i32
      %dma_wait3A_157 = tpu.memref_slice %arg6[%dma_wait3A_154, %dma_wait3A_155, %dma_wait3A_156] : memref<4x100x64xf32, #tpu.memory_space<vmem>> -> memref<1x100x64xf32, #tpu.memory_space<vmem>>
      %dma_wait3A_158 = tpu.memref_squeeze %dma_wait3A_157 : memref<1x100x64xf32, #tpu.memory_space<vmem>> -> memref<100x64xf32, #tpu.memory_space<vmem>>
      %dma_wait3A_159 = arith.constant 0 : i32
      %dma_wait3A_160 = tpu.memref_slice %arg5[%add3A_153, %dma_wait3A_159] : memref<256x100xi32, #tpu.memory_space<vmem>> -> memref<1x100xi32, #tpu.memory_space<vmem>>
      %dma_wait3A_161 = tpu.memref_squeeze %dma_wait3A_160 : memref<1x100xi32, #tpu.memory_space<vmem>> -> memref<100xi32, #tpu.memory_space<vmem>>
      %dma_wait3A_162 = arith.constant 0 : i32
      %dma_wait3A_163 = arith.constant 0 : i32
      %dma_wait3A_164 = tpu.memref_slice %arg3[%dma_wait3A_162, %dma_wait3A_163] : memref<2000000x64xf32, #tpu.memory_space<hbm>> -> memref<2000000x64xf32, #tpu.memory_space<hbm>>
      tpu.wait_indirect_dma semaphore(%arg10 : memref<!tpu.dma_semaphore, #tpu.memory_space<semaphore_mem>>) src(%dma_wait3A_164 : memref<2000000x64xf32, #tpu.memory_space<hbm>>) dst(%dma_wait3A_158 : memref<100x64xf32, #tpu.memory_space<vmem>>)
      %scan3A_165 = arith.constant 0 : i32
      %scan3A_166 = arith.constant 100 : i32
      %scan3A_167 = arith.addi %scan3A_165, %scan3A_166 : i32
      %scan3A_168 = arith.constant 1 : i32
      %scan3A_169:4 = scf.for %scan3A_238 = %scan3A_165 to %scan3A_167 step %scan3A_168 iter_args(%scan3A_239 = %broadcast_in_dim3A_149, %scan3A_240 = %broadcast_in_dim3A_149, %scan3A_241 = %broadcast_in_dim3A_149, %scan3A_242 = %broadcast_in_dim3A_149) -> (vector<16xf32>, vector<16xf32>, vector<16xf32>, vector<16xf32>)  : i32 {
        %get3A = arith.constant 2 : i32
        %get3A_243 = arith.index_cast %get3A : i32 to index
        %get3A_244 = arith.index_cast %scan3A_238 : i32 to index
        %get3A_245 = arith.constant 0 : index
        %get3A_246 = tpu.vector_load %arg6[%get3A_243, %get3A_244, %get3A_245] {strides = array<i32>} : memref<4x100x64xf32, #tpu.memory_space<vmem>>, vector<1x1x16xf32>,
        %get3A_247 = vector.shape_cast %get3A_246 : vector<1x1x16xf32> to vector<16xf32>
        %add3A_248 = arith.addf %scan3A_239, %get3A_247 : vector<16xf32>
        %get3A_249 = arith.constant 2 : i32
        %get3A_250 = arith.index_cast %get3A_249 : i32 to index
        %get3A_251 = arith.index_cast %scan3A_238 : i32 to index
        %get3A_252 = arith.constant 16 : index
        %get3A_253 = tpu.vector_load %arg6[%get3A_250, %get3A_251, %get3A_252] {strides = array<i32>} : memref<4x100x64xf32, #tpu.memory_space<vmem>>, vector<1x1x16xf32>,
        %get3A_254 = vector.shape_cast %get3A_253 : vector<1x1x16xf32> to vector<16xf32>
        %add3A_255 = arith.addf %scan3A_240, %get3A_254 : vector<16xf32>
        %get3A_256 = arith.constant 2 : i32
        %get3A_257 = arith.index_cast %get3A_256 : i32 to index
        %get3A_258 = arith.index_cast %scan3A_238 : i32 to index
        %get3A_259 = arith.constant 32 : index
        %get3A_260 = tpu.vector_load %arg6[%get3A_257, %get3A_258, %get3A_259] {strides = array<i32>} : memref<4x100x64xf32, #tpu.memory_space<vmem>>, vector<1x1x16xf32>,
        %get3A_261 = vector.shape_cast %get3A_260 : vector<1x1x16xf32> to vector<16xf32>
        %add3A_262 = arith.addf %scan3A_241, %get3A_261 : vector<16xf32>
        %get3A_263 = arith.constant 2 : i32
        %get3A_264 = arith.index_cast %get3A_263 : i32 to index
        %get3A_265 = arith.index_cast %scan3A_238 : i32 to index
        %get3A_266 = arith.constant 48 : index
        %get3A_267 = tpu.vector_load %arg6[%get3A_264, %get3A_265, %get3A_266] {strides = array<i32>} : memref<4x100x64xf32, #tpu.memory_space<vmem>>, vector<1x1x16xf32>,
        %get3A_268 = vector.shape_cast %get3A_267 : vector<1x1x16xf32> to vector<16xf32>
        %add3A_269 = arith.addf %scan3A_242, %get3A_268 : vector<16xf32>
        scf.yield %add3A_248, %add3A_255, %add3A_262, %add3A_269 : vector<16xf32>, vector<16xf32>, vector<16xf32>, vector<16xf32>
      }
      %scan3A_170 = arith.constant 100 : i32
      %add3A_171 = arith.constant 4 : i32
      %add3A_172 = arith.addi %add3A_153, %add3A_171 : i32
      %lt3A_173 = arith.constant 256 : i32
      %lt3A_174 = arith.cmpi slt, %add3A_172, %lt3A_173 : i32
      %convert_element_type3A_175 = arith.extui %lt3A_174 : i1 to i32
      %cond3A_176 = arith.constant 0 : i32
      %cond3A_177 = arith.cmpi ne, %convert_element_type3A_175, %cond3A_176 : i32
      scf.if %cond3A_177 {
        %add3A_238 = arith.constant 4 : i32
        %add3A_239 = arith.addi %add3A_153, %add3A_238 : i32
        %dma_start3A_240 = arith.constant 2 : i32
        %dma_start3A_241 = arith.constant 0 : i32
        %dma_start3A_242 = arith.constant 0 : i32
        %dma_start3A_243 = tpu.memref_slice %arg6[%dma_start3A_240, %dma_start3A_241, %dma_start3A_242] : memref<4x100x64xf32, #tpu.memory_space<vmem>> -> memref<1x100x64xf32, #tpu.memory_space<vmem>>
        %dma_start3A_244 = tpu.memref_squeeze %dma_start3A_243 : memref<1x100x64xf32, #tpu.memory_space<vmem>> -> memref<100x64xf32, #tpu.memory_space<vmem>>
        %dma_start3A_245 = arith.constant 0 : i32
        %dma_start3A_246 = tpu.memref_slice %arg5[%add3A_239, %dma_start3A_245] : memref<256x100xi32, #tpu.memory_space<vmem>> -> memref<1x100xi32, #tpu.memory_space<vmem>>
        %dma_start3A_247 = tpu.memref_squeeze %dma_start3A_246 : memref<1x100xi32, #tpu.memory_space<vmem>> -> memref<100xi32, #tpu.memory_space<vmem>>
        %dma_start3A_248 = arith.constant 0 : i32
        %dma_start3A_249 = arith.constant 0 : i32
        %dma_start3A_250 = tpu.memref_slice %arg3[%dma_start3A_248, %dma_start3A_249] : memref<2000000x64xf32, #tpu.memory_space<hbm>> -> memref<2000000x64xf32, #tpu.memory_space<hbm>>
        tpu.enqueue_indirect_dma source(%dma_start3A_250 : memref<2000000x64xf32, #tpu.memory_space<hbm>>) target(%dma_start3A_244 : memref<100x64xf32, #tpu.memory_space<vmem>>) offsets(%dma_start3A_247 : memref<100xi32, #tpu.memory_space<vmem>>) semaphore(%arg10 : memref<!tpu.dma_semaphore, #tpu.memory_space<semaphore_mem>>)
      } else {
      }
      %mul3A_178 = arith.constant 2 : i32
      %mul3A_179 = arith.muli %mul3A_178, %add3A_147 : i32
      %add3A_180 = arith.constant 1 : i32
      %add3A_181 = arith.addi %mul3A_179, %add3A_180 : i32
      %dma_wait3A_182 = arith.constant 3 : i32
      %dma_wait3A_183 = arith.constant 0 : i32
      %dma_wait3A_184 = arith.constant 0 : i32
      %dma_wait3A_185 = tpu.memref_slice %arg6[%dma_wait3A_182, %dma_wait3A_183, %dma_wait3A_184] : memref<4x100x64xf32, #tpu.memory_space<vmem>> -> memref<1x100x64xf32, #tpu.memory_space<vmem>>
      %dma_wait3A_186 = tpu.memref_squeeze %dma_wait3A_185 : memref<1x100x64xf32, #tpu.memory_space<vmem>> -> memref<100x64xf32, #tpu.memory_space<vmem>>
      %dma_wait3A_187 = arith.constant 0 : i32
      %dma_wait3A_188 = tpu.memref_slice %arg5[%add3A_181, %dma_wait3A_187] : memref<256x100xi32, #tpu.memory_space<vmem>> -> memref<1x100xi32, #tpu.memory_space<vmem>>
      %dma_wait3A_189 = tpu.memref_squeeze %dma_wait3A_188 : memref<1x100xi32, #tpu.memory_space<vmem>> -> memref<100xi32, #tpu.memory_space<vmem>>
      %dma_wait3A_190 = arith.constant 0 : i32
      %dma_wait3A_191 = arith.constant 0 : i32
      %dma_wait3A_192 = tpu.memref_slice %arg3[%dma_wait3A_190, %dma_wait3A_191] : memref<2000000x64xf32, #tpu.memory_space<hbm>> -> memref<2000000x64xf32, #tpu.memory_space<hbm>>
      tpu.wait_indirect_dma semaphore(%arg11 : memref<!tpu.dma_semaphore, #tpu.memory_space<semaphore_mem>>) src(%dma_wait3A_192 : memref<2000000x64xf32, #tpu.memory_space<hbm>>) dst(%dma_wait3A_186 : memref<100x64xf32, #tpu.memory_space<vmem>>)
      %scan3A_193 = arith.constant 0 : i32
      %scan3A_194 = arith.constant 100 : i32
      %scan3A_195 = arith.addi %scan3A_193, %scan3A_194 : i32
      %scan3A_196 = arith.constant 1 : i32
      %scan3A_197:4 = scf.for %scan3A_238 = %scan3A_193 to %scan3A_195 step %scan3A_196 iter_args(%scan3A_239 = %scan3A_169#0, %scan3A_240 = %scan3A_169#1, %scan3A_241 = %scan3A_169#2, %scan3A_242 = %scan3A_169#3) -> (vector<16xf32>, vector<16xf32>, vector<16xf32>, vector<16xf32>)  : i32 {
        %get3A = arith.constant 3 : i32
        %get3A_243 = arith.index_cast %get3A : i32 to index
        %get3A_244 = arith.index_cast %scan3A_238 : i32 to index
        %get3A_245 = arith.constant 0 : index
        %get3A_246 = tpu.vector_load %arg6[%get3A_243, %get3A_244, %get3A_245] {strides = array<i32>} : memref<4x100x64xf32, #tpu.memory_space<vmem>>, vector<1x1x16xf32>,
        %get3A_247 = vector.shape_cast %get3A_246 : vector<1x1x16xf32> to vector<16xf32>
        %add3A_248 = arith.addf %scan3A_239, %get3A_247 : vector<16xf32>
        %get3A_249 = arith.constant 3 : i32
        %get3A_250 = arith.index_cast %get3A_249 : i32 to index
        %get3A_251 = arith.index_cast %scan3A_238 : i32 to index
        %get3A_252 = arith.constant 16 : index
        %get3A_253 = tpu.vector_load %arg6[%get3A_250, %get3A_251, %get3A_252] {strides = array<i32>} : memref<4x100x64xf32, #tpu.memory_space<vmem>>, vector<1x1x16xf32>,
        %get3A_254 = vector.shape_cast %get3A_253 : vector<1x1x16xf32> to vector<16xf32>
        %add3A_255 = arith.addf %scan3A_240, %get3A_254 : vector<16xf32>
        %get3A_256 = arith.constant 3 : i32
        %get3A_257 = arith.index_cast %get3A_256 : i32 to index
        %get3A_258 = arith.index_cast %scan3A_238 : i32 to index
        %get3A_259 = arith.constant 32 : index
        %get3A_260 = tpu.vector_load %arg6[%get3A_257, %get3A_258, %get3A_259] {strides = array<i32>} : memref<4x100x64xf32, #tpu.memory_space<vmem>>, vector<1x1x16xf32>,
        %get3A_261 = vector.shape_cast %get3A_260 : vector<1x1x16xf32> to vector<16xf32>
        %add3A_262 = arith.addf %scan3A_241, %get3A_261 : vector<16xf32>
        %get3A_263 = arith.constant 3 : i32
        %get3A_264 = arith.index_cast %get3A_263 : i32 to index
        %get3A_265 = arith.index_cast %scan3A_238 : i32 to index
        %get3A_266 = arith.constant 48 : index
        %get3A_267 = tpu.vector_load %arg6[%get3A_264, %get3A_265, %get3A_266] {strides = array<i32>} : memref<4x100x64xf32, #tpu.memory_space<vmem>>, vector<1x1x16xf32>,
        %get3A_268 = vector.shape_cast %get3A_267 : vector<1x1x16xf32> to vector<16xf32>
        %add3A_269 = arith.addf %scan3A_242, %get3A_268 : vector<16xf32>
        scf.yield %add3A_248, %add3A_255, %add3A_262, %add3A_269 : vector<16xf32>, vector<16xf32>, vector<16xf32>, vector<16xf32>
      }
      %scan3A_198 = arith.constant 100 : i32
      %add3A_199 = arith.constant 4 : i32
      %add3A_200 = arith.addi %add3A_181, %add3A_199 : i32
      %lt3A_201 = arith.constant 256 : i32
      %lt3A_202 = arith.cmpi slt, %add3A_200, %lt3A_201 : i32
      %convert_element_type3A_203 = arith.extui %lt3A_202 : i1 to i32
      %cond3A_204 = arith.constant 0 : i32
      %cond3A_205 = arith.cmpi ne, %convert_element_type3A_203, %cond3A_204 : i32
      scf.if %cond3A_205 {
        %add3A_238 = arith.constant 4 : i32
        %add3A_239 = arith.addi %add3A_181, %add3A_238 : i32
        %dma_start3A_240 = arith.constant 3 : i32
        %dma_start3A_241 = arith.constant 0 : i32
        %dma_start3A_242 = arith.constant 0 : i32
        %dma_start3A_243 = tpu.memref_slice %arg6[%dma_start3A_240, %dma_start3A_241, %dma_start3A_242] : memref<4x100x64xf32, #tpu.memory_space<vmem>> -> memref<1x100x64xf32, #tpu.memory_space<vmem>>
        %dma_start3A_244 = tpu.memref_squeeze %dma_start3A_243 : memref<1x100x64xf32, #tpu.memory_space<vmem>> -> memref<100x64xf32, #tpu.memory_space<vmem>>
        %dma_start3A_245 = arith.constant 0 : i32
        %dma_start3A_246 = tpu.memref_slice %arg5[%add3A_239, %dma_start3A_245] : memref<256x100xi32, #tpu.memory_space<vmem>> -> memref<1x100xi32, #tpu.memory_space<vmem>>
        %dma_start3A_247 = tpu.memref_squeeze %dma_start3A_246 : memref<1x100xi32, #tpu.memory_space<vmem>> -> memref<100xi32, #tpu.memory_space<vmem>>
        %dma_start3A_248 = arith.constant 0 : i32
        %dma_start3A_249 = arith.constant 0 : i32
        %dma_start3A_250 = tpu.memref_slice %arg3[%dma_start3A_248, %dma_start3A_249] : memref<2000000x64xf32, #tpu.memory_space<hbm>> -> memref<2000000x64xf32, #tpu.memory_space<hbm>>
        tpu.enqueue_indirect_dma source(%dma_start3A_250 : memref<2000000x64xf32, #tpu.memory_space<hbm>>) target(%dma_start3A_244 : memref<100x64xf32, #tpu.memory_space<vmem>>) offsets(%dma_start3A_247 : memref<100xi32, #tpu.memory_space<vmem>>) semaphore(%arg11 : memref<!tpu.dma_semaphore, #tpu.memory_space<semaphore_mem>>)
      } else {
      }
      %mul3A_206 = arith.constant 5.000000e-03 : f32
      %mul3A_207 = vector.broadcast %mul3A_206 : f32 to vector<16xf32>
      %mul3A_208 = arith.mulf %scan3A_197#0, %mul3A_207 : vector<16xf32>
      %swap3A_209 = arith.index_cast %add3A_147 : i32 to index
      %swap3A_210 = arith.constant 0 : index
      %swap3A_211 = tpu.vector_load %arg7[%swap3A_209, %swap3A_210] {strides = array<i32>} : memref<128x64xf32, #tpu.memory_space<vmem>>, vector<1x16xf32>,
      %swap3A_212 = vector.shape_cast %swap3A_211 : vector<1x16xf32> to vector<16xf32>
      %swap3A_213 = vector.shape_cast %mul3A_208 : vector<16xf32> to vector<1x16xf32>
      tpu.vector_store %arg7[%swap3A_209, %swap3A_210], %swap3A_213 {strides = array<i32>} : memref<128x64xf32, #tpu.memory_space<vmem>>, vector<1x16xf32>,
      %mul3A_214 = arith.constant 5.000000e-03 : f32
      %mul3A_215 = vector.broadcast %mul3A_214 : f32 to vector<16xf32>
      %mul3A_216 = arith.mulf %scan3A_197#1, %mul3A_215 : vector<16xf32>
      %swap3A_217 = arith.index_cast %add3A_147 : i32 to index
      %swap3A_218 = arith.constant 16 : index
      %swap3A_219 = tpu.vector_load %arg7[%swap3A_217, %swap3A_218] {strides = array<i32>} : memref<128x64xf32, #tpu.memory_space<vmem>>, vector<1x16xf32>,
      %swap3A_220 = vector.shape_cast %swap3A_219 : vector<1x16xf32> to vector<16xf32>
      %swap3A_221 = vector.shape_cast %mul3A_216 : vector<16xf32> to vector<1x16xf32>
      tpu.vector_store %arg7[%swap3A_217, %swap3A_218], %swap3A_221 {strides = array<i32>} : memref<128x64xf32, #tpu.memory_space<vmem>>, vector<1x16xf32>,
      %mul3A_222 = arith.constant 5.000000e-03 : f32
      %mul3A_223 = vector.broadcast %mul3A_222 : f32 to vector<16xf32>
      %mul3A_224 = arith.mulf %scan3A_197#2, %mul3A_223 : vector<16xf32>
      %swap3A_225 = arith.index_cast %add3A_147 : i32 to index
      %swap3A_226 = arith.constant 32 : index
      %swap3A_227 = tpu.vector_load %arg7[%swap3A_225, %swap3A_226] {strides = array<i32>} : memref<128x64xf32, #tpu.memory_space<vmem>>, vector<1x16xf32>,
      %swap3A_228 = vector.shape_cast %swap3A_227 : vector<1x16xf32> to vector<16xf32>
      %swap3A_229 = vector.shape_cast %mul3A_224 : vector<16xf32> to vector<1x16xf32>
      tpu.vector_store %arg7[%swap3A_225, %swap3A_226], %swap3A_229 {strides = array<i32>} : memref<128x64xf32, #tpu.memory_space<vmem>>, vector<1x16xf32>,
      %mul3A_230 = arith.constant 5.000000e-03 : f32
      %mul3A_231 = vector.broadcast %mul3A_230 : f32 to vector<16xf32>
      %mul3A_232 = arith.mulf %scan3A_197#3, %mul3A_231 : vector<16xf32>
      %swap3A_233 = arith.index_cast %add3A_147 : i32 to index
      %swap3A_234 = arith.constant 48 : index
      %swap3A_235 = tpu.vector_load %arg7[%swap3A_233, %swap3A_234] {strides = array<i32>} : memref<128x64xf32, #tpu.memory_space<vmem>>, vector<1x16xf32>,
      %swap3A_236 = vector.shape_cast %swap3A_235 : vector<1x16xf32> to vector<16xf32>
      %swap3A_237 = vector.shape_cast %mul3A_232 : vector<16xf32> to vector<1x16xf32>
      tpu.vector_store %arg7[%swap3A_233, %swap3A_234], %swap3A_237 {strides = array<i32>} : memref<128x64xf32, #tpu.memory_space<vmem>>, vector<1x16xf32>,
    }
    %scan3A_56 = arith.constant 64 : i32
    "tpu.region"() ({
      %run_scoped3A = tpu.sem_alloc : memref<!tpu.dma_semaphore, #tpu.memory_space<semaphore_mem>>
      %dma_start3A_57 = arith.constant 0 : i32
      %dma_start3A_58 = tpu.memref_slice %arg4[%mul3A_2, %dma_start3A_57] : memref<4096x64xf32, #tpu.memory_space<hbm>> -> memref<128x64xf32, #tpu.memory_space<hbm>>
      %dma_start3A_59 = arith.constant 0 : i32
      %dma_start3A_60 = tpu.memref_slice %arg4[%mul3A_2, %dma_start3A_59] : memref<4096x64xf32, #tpu.memory_space<hbm>> -> memref<128x64xf32, #tpu.memory_space<hbm>>
      tpu.enqueue_dma source(%arg7 : memref<128x64xf32, #tpu.memory_space<vmem>>) target(%dma_start3A_60 : memref<128x64xf32, #tpu.memory_space<hbm>>) target_semaphore(%run_scoped3A : memref<!tpu.dma_semaphore, #tpu.memory_space<semaphore_mem>>)
      %dma_wait3A = arith.constant 0 : i32
      %dma_wait3A_61 = tpu.memref_slice %arg4[%mul3A_2, %dma_wait3A] : memref<4096x64xf32, #tpu.memory_space<hbm>> -> memref<128x64xf32, #tpu.memory_space<hbm>>
      %dma_wait3A_62 = arith.constant 0 : i32
      %dma_wait3A_63 = tpu.memref_slice %arg4[%mul3A_2, %dma_wait3A_62] : memref<4096x64xf32, #tpu.memory_space<hbm>> -> memref<128x64xf32, #tpu.memory_space<hbm>>
      tpu.wait_dma2 semaphore(%run_scoped3A : memref<!tpu.dma_semaphore, #tpu.memory_space<semaphore_mem>>) src(%arg7 : memref<128x64xf32, #tpu.memory_space<vmem>>) dst(%dma_wait3A_63 : memref<128x64xf32, #tpu.memory_space<hbm>>)
      tpu.yield
    }) : () -> ()
    return
  }
}

module attributes {stable_mosaic.version = 14 : i64} {
  func.func @_transpose_body(%arg0: i32, %arg1: memref<64x16384xf32, #tpu.memory_space<vmem>>, %arg2: memref<16384x128xf32, #tpu.memory_space<vmem>>) attributes {dimension_semantics = [#tpu.dimension_semantics<arbitrary>], iteration_bounds = array<i64: 62>, scalar_prefetch = 0 : i64, scratch_operands = 0 : i64, tpu.core_type = #tpu.core_type<tc>, window_params = [{transform_indices = @transform_0, window_bounds = array<i64: 64, 16384>}, {transform_indices = @transform_1, window_bounds = array<i64: 16384, 128>}]} {
    %get3A = arith.constant 0 : index
    %get3A_0 = arith.constant 0 : index
    %get3A_1 = vector.load %arg1[%get3A, %get3A_0] : memref<64x16384xf32, #tpu.memory_space<vmem>>, vector<64x16384xf32>
    %transpose3A = tpu.transpose %get3A_1, [1, 0] : vector<64x16384xf32> -> vector<16384x64xf32>
    %swap3A = arith.constant 0 : index
    %swap3A_2 = arith.constant 0 : index
    %swap3A_3 = vector.load %arg2[%swap3A, %swap3A_2] : memref<16384x128xf32, #tpu.memory_space<vmem>>, vector<16384x64xf32>
    tpu.vector_store %arg2[%swap3A, %swap3A_2], %transpose3A {strides = array<i32>} : memref<16384x128xf32, #tpu.memory_space<vmem>>, vector<16384x64xf32>,
    return
  }
  func.func @transform_0(%arg0: i32) -> (i32, i32) {
    %c0_i32 = arith.constant 0 : i32
    %c0_i32_0 = arith.constant 0 : i32
    return %c0_i32, %arg0 : i32, i32
  }
  func.func @transform_1(%arg0: i32) -> (i32, i32) {
    %c0_i32 = arith.constant 0 : i32
    %c0_i32_0 = arith.constant 0 : i32
    return %arg0, %c0_i32 : i32, i32
  }
}

module attributes {stable_mosaic.version = 14 : i64} {
  func.func @_mlp_body(%arg0: memref<4096x64xf32, #tpu.memory_space<vmem>>, %arg1: memref<64x32xf32, #tpu.memory_space<vmem>>, %arg2: memref<1x32xf32, #tpu.memory_space<vmem>>, %arg3: memref<32x8xf32, #tpu.memory_space<vmem>>, %arg4: memref<1x8xf32, #tpu.memory_space<vmem>>, %arg5: memref<8x10xf32, #tpu.memory_space<vmem>>, %arg6: memref<1x10xf32, #tpu.memory_space<vmem>>, %arg7: memref<4096x10xf32, #tpu.memory_space<vmem>>) attributes {dimension_semantics = [], scalar_prefetch = 0 : i64, scratch_operands = 0 : i64, tpu.core_type = #tpu.core_type<tc>} {
    %get3A = arith.constant 0 : index
    %get3A_0 = arith.constant 0 : index
    %get3A_1 = vector.load %arg0[%get3A, %get3A_0] : memref<4096x64xf32, #tpu.memory_space<vmem>>, vector<4096x64xf32>
    %get3A_2 = arith.constant 0 : index
    %get3A_3 = arith.constant 0 : index
    %get3A_4 = vector.load %arg1[%get3A_2, %get3A_3] : memref<64x32xf32, #tpu.memory_space<vmem>>, vector<64x32xf32>
    %dot_general3A = arith.constant dense<0.000000e+00> : vector<4096x32xf32>
    %dot_general3A_5 = tpu.matmul %get3A_1, %get3A_4, %dot_general3A {dimension_numbers = #tpu.dot_dimension_numbers<[1], [0], [0], [1], [0, 0, 1, 1], [], []>, transpose_lhs_hint = false} : vector<4096x64xf32>, vector<64x32xf32>, vector<4096x32xf32> -> vector<4096x32xf32>
    %get3A_6 = arith.constant 0 : index
    %get3A_7 = arith.constant 0 : index
    %get3A_8 = vector.load %arg2[%get3A_6, %get3A_7] : memref<1x32xf32, #tpu.memory_space<vmem>>, vector<1x32xf32>
    %add3A = vector.broadcast %get3A_8 : vector<1x32xf32> to vector<4096x32xf32>
    %add3A_9 = arith.addf %dot_general3A_5, %add3A : vector<4096x32xf32>
    %max3A = arith.constant 0.000000e+00 : f32
    %max3A_10 = vector.broadcast %max3A : f32 to vector<4096x32xf32>
    %max3A_11 = arith.maximumf %add3A_9, %max3A_10 : vector<4096x32xf32>
    %get3A_12 = arith.constant 0 : index
    %get3A_13 = arith.constant 0 : index
    %get3A_14 = vector.load %arg3[%get3A_12, %get3A_13] : memref<32x8xf32, #tpu.memory_space<vmem>>, vector<32x8xf32>
    %dot_general3A_15 = arith.constant dense<0.000000e+00> : vector<4096x8xf32>
    %dot_general3A_16 = tpu.matmul %max3A_11, %get3A_14, %dot_general3A_15 {dimension_numbers = #tpu.dot_dimension_numbers<[1], [0], [0], [1], [0, 0, 1, 1], [], []>, transpose_lhs_hint = false} : vector<4096x32xf32>, vector<32x8xf32>, vector<4096x8xf32> -> vector<4096x8xf32>
    %get3A_17 = arith.constant 0 : index
    %get3A_18 = arith.constant 0 : index
    %get3A_19 = vector.load %arg4[%get3A_17, %get3A_18] : memref<1x8xf32, #tpu.memory_space<vmem>>, vector<1x8xf32>
    %add3A_20 = vector.broadcast %get3A_19 : vector<1x8xf32> to vector<4096x8xf32>
    %add3A_21 = arith.addf %dot_general3A_16, %add3A_20 : vector<4096x8xf32>
    %max3A_22 = arith.constant 0.000000e+00 : f32
    %max3A_23 = vector.broadcast %max3A_22 : f32 to vector<4096x8xf32>
    %max3A_24 = arith.maximumf %add3A_21, %max3A_23 : vector<4096x8xf32>
    %get3A_25 = arith.constant 0 : index
    %get3A_26 = arith.constant 0 : index
    %get3A_27 = vector.load %arg5[%get3A_25, %get3A_26] : memref<8x10xf32, #tpu.memory_space<vmem>>, vector<8x10xf32>
    %dot_general3A_28 = arith.constant dense<0.000000e+00> : vector<4096x10xf32>
    %dot_general3A_29 = tpu.matmul %max3A_24, %get3A_27, %dot_general3A_28 {dimension_numbers = #tpu.dot_dimension_numbers<[1], [0], [0], [1], [0, 0, 1, 1], [], []>, transpose_lhs_hint = false} : vector<4096x8xf32>, vector<8x10xf32>, vector<4096x10xf32> -> vector<4096x10xf32>
    %get3A_30 = arith.constant 0 : index
    %get3A_31 = arith.constant 0 : index
    %get3A_32 = vector.load %arg6[%get3A_30, %get3A_31] : memref<1x10xf32, #tpu.memory_space<vmem>>, vector<1x10xf32>
    %add3A_33 = vector.broadcast %get3A_32 : vector<1x10xf32> to vector<4096x10xf32>
    %add3A_34 = arith.addf %dot_general3A_29, %add3A_33 : vector<4096x10xf32>
    %swap3A = arith.constant 0 : index
    %swap3A_35 = arith.constant 0 : index
    %swap3A_36 = vector.load %arg7[%swap3A, %swap3A_35] : memref<4096x10xf32, #tpu.memory_space<vmem>>, vector<4096x10xf32>
    tpu.vector_store %arg7[%swap3A, %swap3A_35], %add3A_34 {strides = array<i32>} : memref<4096x10xf32, #tpu.memory_space<vmem>>, vector<4096x10xf32>,
    return
  }
}

</mosaic_0001>

<sc_bundles>
// kernel: kernel.5.cloned.1.call-start
scs
__scs_entry_jumppad:
0x0: {  	(pc) =	sbr.rel $0x88, $3  }
0x1: {  	(tag) =	ssettag $0x0;
	lr =	simm.s32 $0x1  }
0x2: {  	[smem:$0x3F99] =	sst lr;
	_ =	strace $0xD0000000  }
0x3: {  	_ = 	snop  }
0x4: {  	_ = 	snop  }
0x5: {  	_ = 	snop  }
0x6: {  	_ = 	snop  }
0x7: {  	_ = 	snop  }
__scs_overlays_trampoline_lowered:
0x8: {  	[smem:$0x3FA8] =	sst s0  }
0x9: {  	[smem:$0x3FA9] =	sst s1  }
0xa: {  	[smem:$0x3FAA] =	sst s2  }
0xb: {  	[smem:$0x3FAB] =	sst s3  }
0xc: {  	[smem:$0x3FAC] =	sst s4  }
0xd: {  	[smem:$0x3FAD] =	sst s5  }
0xe: {  	[smem:$0x3FAE] =	sst s6  }
0xf: {  	[smem:$0x3FAF] =	sst s7  }
0x10: {  	[smem:$0x3FB0] =	sst s8  }
0x11: {  	[smem:$0x3FB1] =	sst s9;
	s0 =	simm.s32 @!p0 $0x0  }
0x12: {  	s1 =	sld [smem:$0x3F97];
	s0 =	simm.s32 @p0 $0x1  }
0x13: {  	[smem:$0x3FB2] =	sst s0;
	s0 =	simm.s32 @!p1 $0x0  }
0x14: {  	s2 =	sld [smem:$0x3F96];
	s0 =	simm.s32 @p1 $0x1  }
0x15: {  	[smem:$0x3FB3] =	sst s0;
	s0 =	simm.s32 @!p2 $0x0  }
0x16: {  	s3 =	sld [smem:$0x3FDB];
	s0 =	simm.s32 @p2 $0x1  }
0x17: {  	s4 =	simm.s32 $0x1BF5;
	[smem:$0x3FB5] =	sst s0  }
0x18: {  	s0 =	sld [smem:$0x3F98];
	_ =	swait.ge [sflag:s4], $0x0  }
0x19: {  	s7 =	sld [smem:$0x3F99]  }
0x1a: {  	s8 =	sadd.s32 $0xFFFFE003, lr  }
0x1b: {  	s9 =	sadd.s32 $0xFFFFFEF7, lr;
	s5 =	simm.s32 $0xFFFFFFFF;
	p2 =	slt.u32 s8, $0xFFFFF086  }
0x1c: {  	p1 =	slt.u32 s9, $0xF7A;
	s5 =	simm.s32 @!p2 $0x0  }
0x1d: {  	s5 =	simm.s32 @p1 $0x1;
	p0 =	seq.s32 s7, s2  }
0x1e: {  	s7 =	smul.u32 @!p0 $0xF7A, s2;
	p2 =	seq.s32 @!p0 s5, $0x0  }
0x1f: {  	s9 =	smul.u32 $0xF7A, s1;
	s8 =	simm.s32 @!p0 $0x1BF5;
	p2 =	por !p2, p0  }
0x20: {  	[sflag:s8] =	ssyncset.s32 @!p0 $0xFFFFF086;
	s6 =	sadd.s32 @!p0 s3, s7;
	s7 =	simm.s32 @!p0 $0x108  }
0x21: {  	s3 =	sadd.s32 s3, s9;
	s6 =	sadd.s32 @!p0 $0x88, s6;
	s7 =	simm.s32 @p2 $0x1082  }
0x22: {  	[simem:s7], [sflag:s8] =	dma.local @!p0 [hbm:s6], $0xF7A  }
0x23: {  	s9 =	sor.u32 $0xD0000000, s2;
	s6 =	simm.s32 $0x108;
	_ =	swait.ge @!p0 [sflag:s8], $0x0  }
0x24: {  	s3 =	sadd.s32 $0x88, s3;
	s6 =	simm.s32 @!p1 $0x1082;
	[sflag:s4] =	ssyncset.s32 $0xFFFFF086  }
0x25: {  	[simem:s6], [sflag:s4] =	dma.local [hbm:s3], $0xF7A  }
0x26: {  	[smem:$0x3F99] =	sst s1;
	(tag) =	ssettag s2;
	_ =	strace s9  }
0x27: {  	s1 =	sld [smem:$0x3FA9]  }
0x28: {  	s2 =	sld [smem:$0x3FAA]  }
0x29: {  	s4 =	sld [smem:$0x3FAC]  }
0x2a: {  	p0 =	seq.s32 s5, $0x0;
	s5 =	sld [smem:$0x3FAD]  }
0x2b: {  	s6 =	sld [smem:$0x3FAE]  }
0x2c: {  	s7 =	sld [smem:$0x3FAF]  }
0x2d: {  	s3 =	simm.s32 $0x108;
	s8 =	sld [smem:$0x3FB0]  }
0x2e: {  	s3 =	simm.s32 @!p0 $0x1082;
	s9 =	sld [smem:$0x3FB1]  }
0x2f: {  	lr =	sadd.s32 s0, s3;
	s0 =	sld [smem:$0x3FA8]  }
0x30: {  	s3 =	sld [smem:$0x3FAB]  }
0x31: {  	[smem:$0x3FB4] =	sst s10  }
0x32: {  	s10 =	sld [smem:$0x3FB2];
	_ =	sdelay $0x3  }
0x33: {  	p0 =	seq.s32 s10, $0x1;
	s10 =	sld [smem:$0x3FB4];
	_ =	sdelay $0x3  }
0x34: {  	[smem:$0x3FB4] =	sst s10  }
0x35: {  	s10 =	sld [smem:$0x3FB3];
	_ =	sdelay $0x3  }
0x36: {  	p1 =	seq.s32 s10, $0x1;
	s10 =	sld [smem:$0x3FB4];
	_ =	sdelay $0x3  }
0x37: {  	[smem:$0x3FB4] =	sst s10  }
0x38: {  	s10 =	sld [smem:$0x3FB5]  }
0x39: {  	_ = 	snop;
	(pc) =	sbr.ind lr, $3  }
0x3a: {  	_ = 	snop  }
0x3b: {  	_ = 	snop  }
0x3c: {  	p2 =	seq.s32 s10, $0x1;
	s10 =	sld [smem:$0x3FB4]  }
0x3d: {  	_ =	shalt  }
0x3e: {  	_ =	shalt  }
0x3f: {  	_ =	shalt  }
0x40: {  	_ =	shalt  }
0x41: {  	_ =	shalt  }
0x42: {  	_ =	shalt  }
0x43: {  	_ =	shalt  }
0x44: {  	_ =	shalt  }
0x45: {  	_ =	shalt  }
0x46: {  	_ =	shalt  }
0x47: {  	_ =	shalt  }
0x48: {  	_ =	shalt  }
0x49: {  	_ =	shalt  }
0x4a: {  	_ =	shalt  }
0x4b: {  	_ =	shalt  }
0x4c: {  	_ =	shalt  }
0x4d: {  	_ =	shalt  }
0x4e: {  	_ =	shalt  }
0x4f: {  	_ =	shalt  }
0x50: {  	_ =	shalt  }
0x51: {  	_ =	shalt  }
0x52: {  	_ =	shalt  }
0x53: {  	_ =	shalt  }
0x54: {  	_ =	shalt  }
0x55: {  	_ =	shalt  }
0x56: {  	_ =	shalt  }
0x57: {  	_ =	shalt  }
0x58: {  	_ =	shalt  }
0x59: {  	_ =	shalt  }
0x5a: {  	_ =	shalt  }
0x5b: {  	_ =	shalt  }
0x5c: {  	_ =	shalt  }
0x5d: {  	_ =	shalt  }
0x5e: {  	_ =	shalt  }
0x5f: {  	_ =	shalt  }
0x60: {  	_ =	shalt  }
0x61: {  	_ =	shalt  }
0x62: {  	_ =	shalt  }
0x63: {  	_ =	shalt  }
0x64: {  	_ =	shalt  }
0x65: {  	_ =	shalt  }
0x66: {  	_ =	shalt  }
0x67: {  	_ =	shalt  }
0x68: {  	_ =	shalt  }
0x69: {  	_ =	shalt  }
0x6a: {  	_ =	shalt  }
0x6b: {  	_ =	shalt  }
0x6c: {  	_ =	shalt  }
0x6d: {  	_ =	shalt  }
0x6e: {  	_ =	shalt  }
0x6f: {  	_ =	shalt  }
0x70: {  	_ =	shalt  }
0x71: {  	_ =	shalt  }
0x72: {  	_ =	shalt  }
0x73: {  	_ =	shalt  }
0x74: {  	_ =	shalt  }
0x75: {  	_ =	shalt  }
0x76: {  	_ =	shalt  }
0x77: {  	_ =	shalt  }
0x78: {  	_ =	shalt  }
0x79: {  	_ =	shalt  }
0x7a: {  	_ =	shalt  }
0x7b: {  	_ =	shalt  }
0x7c: {  	_ =	shalt  }
0x7d: {  	_ =	shalt  }
0x7e: {  	_ =	shalt  }
0x7f: {  	_ =	shalt  }
0x80: {  	_ =	shalt  }
0x81: {  	_ =	shalt  }
0x82: {  	_ =	shalt  }
0x83: {  	_ =	shalt  }
0x84: {  	_ =	shalt  }
0x85: {  	_ =	shalt  }
0x86: {  	_ =	shalt  }
0x87: {  	_ =	shalt  }
.Lfunc_end0:
.L_simem_size_0:
called_computation_lowered:
.L_overlay_start_0:
0x88: {  	s2 =	sld [smem:$0x3FD9]  }
0x89: {  	s3 =	sld [smem:$0x3FFE];
	_ =	sdelay $0x1  }
0x8a: {  	s1 =	srdreg.scid  }
0x8b: {  	s0 =	sand.u32 $0x1, s1  }
0x8c: {  	s16 =	sshll.u32 s0, $0xA;
	s2 =	sadd.s32 s3, s2  }
0x8d: {  	s2 =	sadd.s32 s2, s16  }
0x8e: {  	[smem:$0x3FC0] =	sst s2  }
0x8f: {  	_ = 	snop  }
0x90: {  	(tm) =	ssettm $0x1  }
0x91: {  	s17 =	sld [smem:$0x3FFB];
	_ =	sdelay $0x3  }
0x92: {  	_ =	strace s17  }
0x93: {  	s2 =	sld [smem:$0x3FFC];
	_ =	sdelay $0x3  }
0x94: {  	_ =	strace s2  }
0x95: {  	s2 =	sld [smem:$0x3FFD];
	_ =	sdelay $0x3  }
0x96: {  	_ =	strace s2  }
0x97: {  	_ =	strace $0x8FFFFFFF  }
0x98: {  	s18 =	sld [smem:$0x3FDB];
	_ =	sdelay $0x1  }
0x99: {  	s19 =	simm.s32 $_scs_section_size  }
0x9a: {  	s4 =	simm.s32 $_size__tile_overlayer_lowered;
	s5 =	simm.s32 $_tile_overlayer_lowered  }
0x9b: {  	s22 =	simm.s32 $0x1BFF;
	s21 =	sshll.u32 s5, $0x1;
	s2 =	sadd.s32 s19, s18  }
0x9c: {  	s6 =	simm.s32 $0x0;
	s20 =	sshll.u32 s4, $0x1;
	s4 =	sadd.s32 s21, s2  }
0x9d: {  	[timem:s6], [sflag:s22] =	dma.local [hbm:s4], s20  }
0x9e: {  	_ =	swait.ge [sflag:s22], s20  }
0x9f: {  	s3 =	ssub.s32 $0x0, s20;
	[sflag:s22] =	ssyncset.done $0x0  }
0xa0: {  	[sflag:s22] =	ssyncadd.s32 s3;
	_ =	sdelay $0x1  }
0xa1: {  	s23 =	simm.s32 $0x1B8B  }
0xa2: {  	_ =	swait.ge [sflag:s23], $0x1  }
0xa3: {  	[sflag:s23] =	ssyncset.done $0x0  }
0xa4: {  	s25 =	simm.s32 $0x1B8E;
	s24 =	sld [smem:$0x3FFE];
	[sflag:s23] =	ssyncadd.s32 $0xFFFFFFFF  }
0xa5: {  	s26 =	simm.s32 $execute0_lowered;
	[smem:$0x3FD2] =	sst s25  }
0xa6: {  	s4 =	sshll.u32 s26, $0x1;
	_ =	strace $0x80000046;
	[dreg:$0x1] =	wrdreg $0xFFFFFFFF  }
0xa7: {  	s28 =	simm.s32 $_size_execute0_lowered;
	s2 =	sadd.s32 s2, s4;
	[dreg:$0x0] =	wrdreg $0x0  }
0xa8: {  	s4 =	sshll.u32 s28, $0x1;
	[dreg:$0x2] =	wrdreg s2  }
0xa9: {  	[dreg:$0x3] =	wrdreg s4  }
0xaa: {  	[dreg:$0x4] =	wrdreg $0xC0  }
0xab: {  	_ =	task [dreg:s6], $0x5FFFF  }
0xac: {  	[dreg:$0x1] =	wrdreg $0xFFFFFFFF  }
0xad: {  	[dreg:$0x0] =	wrdreg $0x60  }
0xae: {  	[dreg:$0x2] =	wrdreg s24  }
0xaf: {  	[dreg:$0x3] =	wrdreg $0x9  }
0xb0: {  	_ =	task.clear_ibuf [dreg:s6], $0x4FFFF;
	_ =	strace $0x90000046  }
0xb1: {  	s29 =	simm.s32 $0x9;
	_ =	strace $0x80000048  }
0xb2: {  	_ =	swait.ge [sflag:s29], $0x1  }
0xb3: {  	[sflag:s29] =	ssyncadd.s32 $0xFFFFFFFF  }
0xb4: {  	_ =	strace $0x90000048  }
0xb5: {  	_ =	sfence  }
0xb6: {  	s30 =	sld [smem:$0x0];
	_ =	sdelay $0x2  }
0xb7: {  	s31 =	sshll.u32 s1, $0xD;
	s1 =	sshrl.u32 s1, $0x2  }
0xb8: {  	s3 =	sand.u32 $0x4000, s31;
	s1 =	sadd.s32 s1, s30  }
0xb9: {  	s0 =	sor.u32 s3, s0;
	s1 =	sshll.u32 s1, $0x11  }
0xba: {  	s0 =	sor.u32 s1, s0  }
0xbb: {  	s0 =	sadd.s32 $0x8F2B, s0  }
0xbc: {  	[sflag:s0] =	ssyncadd.remote.s32 $0x1  }
0xbd: {  	_ =	sfence.sel $0xFFFF  }
0xbe: {  	[dreg:$0x0] =	wrdreg $0xFFFFFFFF;
	(pc) =	sbr.abs _section_cstart, $3  }
0xbf: {  	[dreg:$0x1] =	wrdreg $0xFFFFFFFF  }
0xc0: {  	_ =	task.clear_ibuf [dreg:s6], $0x2FFFF;
	_ =	strace $0x9FFFFFFF  }
0xc1: {  	(tm) =	ssettm $0x7FFFFFFF  }
tec
execute0_lowered:
.L_overlay_start_1:
0x0: {  	(tag) =	ssettag $0x1  }
0x1: {  	s1 =	srdreg.scid  }
0x2: {  	s0 =	stileid.u32;
	s4 =	rddreg [dreg:$0x0]  }
0x3: {  	s2 =	simm.s32 $0x0;
	s9 =	simm.s32 $0x6800;
	s10 =	simm.s32 $0x68  }
0x4: {  	s11 =	simm.s32 $0x8100;
	s12 =	simm.s32 $0xD0;
	s13 =	simm.s32 $0x9A00  }
0x5: {  	s14 =	simm.s32 $0x138;
	s15 =	simm.s32 $0xB300;
	s16 =	simm.s32 $0x1  }
0x6: {  	s17 =	simm.s32 $0x2;
	s18 =	simm.s32 $0x3;
	s19 =	simm.s32 $0x4  }
0x7: {  	s20 =	simm.s32 $0xCC00;
	s3 =	sand.u32 $0x1, s1;
	s1 =	rddreg [dreg:$0x1]  }
0x8: {  	s21 =	simm.s32 $0x0;
	s5 =	sshll.u32 s0, $0x1;
	[smem:$0x7FF] =	sst s2  }
0x9: {  	s5 =	sor.u32 s3, s5;
	_ =	strace $0x80000047;
	s7 =	ssub.s32 $0x2, s3  }
0xa: {  	s6 =	smul.u32 $0xD00, s5;
	s5 =	sshll.u32 s5, $0xA;
	s8 =	sshrl.u32 s7, $0x1  }
0xb: {  	s3 =	sadd.s32 $0x1B000, s4;
	s5 =	sadd.s32 s5, s4;
	s7 =	ssub.s32 s7, s8  }
0xc: {  	s8 =	simm.s32 $0x64;
	s6 =	sadd.s32 s6, s4;
	s5 =	sadd.s32 $0xF5D400, s5  }
0xd: {  	s4 =	sadd.s32 $0x1000, s6;
	s6 =	smax.u32 s7, $0x1;
	s7 =	simm.s32 $0x5  }
.LBB2_1:
0xe: {  	[tilespmem:s2], [sflag:$0x5] =	stream.linear.gather [hbm4b:s4+s2], $0x6800, $0x38;
	[tilespmem:$0xEC00] =	vst v63  }
0xf: {  	_ =	swait.ge [sflag:s7], $0x6800  }
0x10: {  	[sflag:s7] =	ssyncset.done $0x0  }
0x11: {  	[sflag:s7] =	ssyncadd.s32 $0xFFFF9800  }
0x12: {  	[tilespmem:s9], [sflag:$0x1] =	stream.indirect.gather [hbm4b:s3+s8], $0x40, s2, s8, $0xb8;
	[tilespmem:$0xEC00] =	vst v63  }
0x13: {  	_ = 	snop  }
0x14: {  	[tilespmem:s11], [sflag:$0x2] =	stream.indirect.gather [hbm4b:s3+s8], $0x40, s10, s8, $0xb8;
	[tilespmem:$0xEC00] =	vst v63  }
0x15: {  	_ = 	snop  }
0x16: {  	[tilespmem:s13], [sflag:$0x3] =	stream.indirect.gather [hbm4b:s3+s8], $0x40, s12, s8, $0xb8;
	[tilespmem:$0xEC00] =	vst v63  }
0x17: {  	s22 =	simm.s32 $0x0  }
0x18: {  	[tilespmem:s15], [sflag:$0x4] =	stream.indirect.gather [hbm4b:s3+s8], $0x40, s14, s8, $0xb8;
	[tilespmem:$0xEC00] =	vst v63  }
.LBB2_2:
0x19: {  	_ =	swait.ge [sflag:s16], $0x1900  }
0x1a: {  	[sflag:s16] =	ssyncset.done $0x0  }
0x1b: {  	s24 =	simm.s32 $0x0;
	[sflag:s16] =	ssyncadd.s32 $0xFFFFE700  }
0x1c: {  	v1 =	vld [tilespmem:s24+$0x6830]  }
0x1d: {  	v2 =	vld [tilespmem:s24+$0x6800]  }
0x1e: {  	v0 =	vimm.f32 $0.0e+00;
	v3 =	vld [tilespmem:s24+$0x6810]  }
0x1f: {  	s23 =	simm.s32 $0x100;
	v7 =	vimm.f32 $0.0e+00;
	v5 =	vimm.f32 $0.0e+00;
	v6 =	vimm.f32 $0.0e+00;
	v4 =	vld [tilespmem:s24+$0x6820]  }
.LBB2_3:
0x20: {  	p0 =	sne.s32 s23, $0x6300  }
.Ltmp0:
0x21: {  	s24 =	sshra.s32 s23, $0x2;
	s23 =	sadd.s32 $0x100, s23;
	v0 =	vadd.f32 v1, v0;
	(pc) =	sbr.rel @p0 .LBB2_3-.Ltmp0, $4  }
0x22: {  	v1 =	vld [tilespmem:s24+$0x6830];
	v7 =	vadd.f32 v2, v7  }
0x23: {  	v2 =	vld [tilespmem:s24+$0x6800];
	v5 =	vadd.f32 v3, v5  }
0x24: {  	v3 =	vld [tilespmem:s24+$0x6810];
	v6 =	vadd.f32 v4, v6  }
0x25: {  	v4 =	vld [tilespmem:s24+$0x6820]  }
0x26: {  	p0 =	seq.s32 s22, $0x3F  }
0x27: {  	s23 =	smul.u32 @!p0 $0x680, s22;
	_ =	sdelay $0x1  }
0x28: {  	s24 =	sshra.s32 @!p0 s23, $0x2  }
0x29: {  	s25 =	simm.s32 @!p0 $0x64;
	s26 =	simm.s32 @!p0 $0x6800;
	s23 =	sadd.s32 @!p0 $0x1A0, s24  }
0x2a: {  	[tilespmem:s26], [sflag:$0x1] =	stream.indirect.gather @!p0 [hbm4b:s3+s25], $0x40, s23, s25, $0xb8;
	[tilespmem:$0xEC00] =	vst v63  }
0x2b: {  	_ =	swait.ge [sflag:s17], $0x1900  }
0x2c: {  	[sflag:s17] =	ssyncset.done $0x0  }
0x2d: {  	s31 =	simm.s32 $0x0;
	[sflag:s17] =	ssyncadd.s32 $0xFFFFE700  }
0x2e: {  	v8 =	vld [tilespmem:s31+$0x8130]  }
0x2f: {  	v10 =	vld [tilespmem:s31+$0x8100]  }
0x30: {  	v0 =	vadd.f32 v1, v0;
	v9 =	vadd.f32 v2, v7;
	v7 =	vld [tilespmem:s31+$0x8110]  }
0x31: {  	v2 =	vadd.f32 v3, v5;
	v1 =	vadd.f32 v4, v6;
	s23 =	sshll.u32 s22, $0x1;
	s25 =	simm.s32 $0x100;
	v3 =	vld [tilespmem:s31+$0x8120]  }
.LBB2_5:
0x32: {  	p1 =	sne.s32 s25, $0x6300  }
.Ltmp1:
0x33: {  	s26 =	sshra.s32 s25, $0x2;
	s25 =	sadd.s32 $0x100, s25;
	v0 =	vadd.f32 v8, v0;
	(pc) =	sbr.rel @p1 .LBB2_5-.Ltmp1, $4  }
0x34: {  	v8 =	vld [tilespmem:s26+$0x8130];
	v9 =	vadd.f32 v10, v9  }
0x35: {  	v10 =	vld [tilespmem:s26+$0x8100];
	v2 =	vadd.f32 v7, v2  }
0x36: {  	v7 =	vld [tilespmem:s26+$0x8110];
	v1 =	vadd.f32 v3, v1  }
0x37: {  	v3 =	vld [tilespmem:s26+$0x8120]  }
0x38: {  	_ = 	snop  }
0x39: {  	s24 =	sadd.s32 @!p0 $0x208, s24;
	v0 =	vadd.f32 v8, v0  }
0x3a: {  	s25 =	simm.s32 @!p0 $0x64;
	s26 =	simm.s32 @!p0 $0x8100;
	s30 =	sshll.u32 s22, $0x7;
	v4 =	vadd.f32 v10, v9  }
0x3b: {  	[tilespmem:s26], [sflag:$0x2] =	stream.indirect.gather @!p0 [hbm4b:s3+s25], $0x40, s24, s25, $0xb8;
	v2 =	vadd.f32 v7, v2;
	v0 =	vmul.f32 $4.999999890e-03, v0;
	[tilespmem:$0xEC00] =	vst v63  }
0x3c: {  	s24 =	sand.u32 $0x3FFFFF80, s30;
	v1 =	vadd.f32 v3, v1;
	v3 =	vmul.f32 $4.999999890e-03, v4  }
0x3d: {  	v2 =	vmul.f32 $4.999999890e-03, v2;
	[tilespmem:s24+$0xCC30] =	vst v0  }
0x3e: {  	[tilespmem:s24+$0xCC00] =	vst v3;
	v1 =	vmul.f32 $4.999999890e-03, v1  }
0x3f: {  	[tilespmem:s24+$0xCC10] =	vst v2  }
0x40: {  	[tilespmem:s24+$0xCC20] =	vst v1  }
0x41: {  	_ =	swait.ge [sflag:s18], $0x1900  }
0x42: {  	[sflag:s18] =	ssyncset.done $0x0  }
0x43: {  	s31 =	simm.s32 $0x0;
	[sflag:s18] =	ssyncadd.s32 $0xFFFFE700  }
0x44: {  	v1 =	vld [tilespmem:s31+$0x9A30]  }
0x45: {  	v2 =	vld [tilespmem:s31+$0x9A00]  }
0x46: {  	v5 =	vimm.f32 $0.0e+00;
	v3 =	vld [tilespmem:s31+$0x9A10]  }
0x47: {  	v6 =	vimm.f32 $0.0e+00;
	v7 =	vimm.f32 $0.0e+00;
	v0 =	vimm.f32 $0.0e+00;
	s24 =	simm.s32 $0x100;
	v4 =	vld [tilespmem:s31+$0x9A20]  }
.LBB2_7:
0x48: {  	p1 =	sne.s32 s24, $0x6300  }
.Ltmp2:
0x49: {  	s25 =	sshra.s32 s24, $0x2;
	s24 =	sadd.s32 $0x100, s24;
	v0 =	vadd.f32 v1, v0;
	(pc) =	sbr.rel @p1 .LBB2_7-.Ltmp2, $4  }
0x4a: {  	v1 =	vld [tilespmem:s25+$0x9A30];
	v7 =	vadd.f32 v2, v7  }
0x4b: {  	v2 =	vld [tilespmem:s25+$0x9A00];
	v5 =	vadd.f32 v3, v5  }
0x4c: {  	v3 =	vld [tilespmem:s25+$0x9A10];
	v6 =	vadd.f32 v4, v6  }
0x4d: {  	v4 =	vld [tilespmem:s25+$0x9A20]  }
0x4e: {  	s23 =	sor.u32 $0x1, s23  }
0x4f: {  	s24 =	smul.u32 @!p0 $0x340, s23;
	_ =	sdelay $0x1  }
0x50: {  	s24 =	sshra.s32 @!p0 s24, $0x2  }
0x51: {  	s26 =	simm.s32 @!p0 $0x64;
	s28 =	simm.s32 @!p0 $0x9A00;
	s25 =	sadd.s32 @!p0 $0x1A0, s24  }
0x52: {  	[tilespmem:s28], [sflag:$0x3] =	stream.indirect.gather @!p0 [hbm4b:s3+s26], $0x40, s25, s26, $0xb8;
	[tilespmem:$0xEC00] =	vst v63  }
0x53: {  	_ =	swait.ge [sflag:s19], $0x1900  }
0x54: {  	[sflag:s19] =	ssyncset.done $0x0  }
0x55: {  	s31 =	simm.s32 $0x0;
	[sflag:s19] =	ssyncadd.s32 $0xFFFFE700  }
0x56: {  	v8 =	vld [tilespmem:s31+$0xB330]  }
0x57: {  	v10 =	vld [tilespmem:s31+$0xB300]  }
0x58: {  	v0 =	vadd.f32 v1, v0;
	v9 =	vadd.f32 v2, v7;
	v7 =	vld [tilespmem:s31+$0xB310]  }
0x59: {  	v2 =	vadd.f32 v3, v5;
	v1 =	vadd.f32 v4, v6;
	s25 =	simm.s32 $0x100;
	v3 =	vld [tilespmem:s31+$0xB320]  }
.LBB2_9:
0x5a: {  	p1 =	sne.s32 s25, $0x6300  }
.Ltmp3:
0x5b: {  	s26 =	sshra.s32 s25, $0x2;
	s25 =	sadd.s32 $0x100, s25;
	v0 =	vadd.f32 v8, v0;
	(pc) =	sbr.rel @p1 .LBB2_9-.Ltmp3, $4  }
0x5c: {  	v8 =	vld [tilespmem:s26+$0xB330];
	v9 =	vadd.f32 v10, v9  }
0x5d: {  	v10 =	vld [tilespmem:s26+$0xB300];
	v2 =	vadd.f32 v7, v2  }
0x5e: {  	v7 =	vld [tilespmem:s26+$0xB310];
	v1 =	vadd.f32 v3, v1  }
0x5f: {  	v3 =	vld [tilespmem:s26+$0xB320]  }
0x60: {  	s24 =	sadd.s32 @!p0 $0x208, s24  }
0x61: {  	s25 =	simm.s32 @!p0 $0x64;
	s26 =	simm.s32 @!p0 $0xB300;
	s22 =	sadd.s32 $0x1, s22;
	v0 =	vadd.f32 v8, v0  }
0x62: {  	[tilespmem:s26], [sflag:$0x4] =	stream.indirect.gather @!p0 [hbm4b:s3+s25], $0x40, s24, s25, $0xb8;
	v4 =	vadd.f32 v10, v9;
	[tilespmem:$0xEC00] =	vst v63  }
0x63: {  	s23 =	sshll.u32 s23, $0x6;
	p0 =	sne.s32 s22, $0x40;
	v2 =	vadd.f32 v7, v2;
	v0 =	vmul.f32 $4.999999890e-03, v0  }
.Ltmp4:
0x64: {  	s23 =	sand.u32 $0x3FFFFFC0, s23;
	v1 =	vadd.f32 v3, v1;
	v63 =	vmul.f32 $4.999999890e-03, v4;
	(pc) =	sbr.rel @p0 .LBB2_2-.Ltmp4, $4  }
0x65: {  	v2 =	vmul.f32 $4.999999890e-03, v2;
	[tilespmem:s23+$0xCC30] =	vst v0  }
0x66: {  	[tilespmem:s23+$0xCC00] =	vst v63;
	v1 =	vmul.f32 $4.999999890e-03, v1  }
0x67: {  	[tilespmem:s23+$0xCC10] =	vst v2  }
0x68: {  	[tilespmem:s23+$0xCC20] =	vst v1  }
0x69: {  	s21 =	sadd.s32 $0x1, s21  }
0x6a: {  	p0 =	sne.s32 s21, s6  }
.Ltmp5:
0x6b: {  	_ = 	snop;
	(pc) =	sbr.rel @p0 .LBB2_1-.Ltmp5, $4  }
0x6c: {  	[hbm4b:s5+s2] =	stream.linear.scatter [tilespmem:s20], [sflag:$0x5], $0x2000, $0x38;
	[tilespmem:$0xEC00] =	vst v63  }
0x6d: {  	_ =	swait.ge [sflag:s7], $0x2000  }
0x6e: {  	[sflag:s7] =	ssyncset.done $0x0  }
0x6f: {  	[sflag:s7] =	ssyncadd.s32 $0xFFFFE000  }
0x70: {  	_ =	sfence.sel $0x180000  }
0x71: {  	[bflag:$0x0] =	sbarrier.arrive $0xFFFF  }
0x72: {  	p0 =	sne.s32 s0, $0x0;
	_ =	strace $0x90000047  }
0x73: {  	s0 =	sadd.s32 @!p0 $0x100000, s1;
	[bflag:$0x2] =	sbarrier.arrive $0xFFFF  }
0x74: {  	[sflag:s0] =	ssyncadd.tile.s32 @!p0 $0x1;
	_ =	shalt  }
.Lfunc_end2:
_tile_overlayer_lowered:
.L_overlay_start_2:
0x75: {  	(tag) =	ssettag $0x2  }
0x76: {  	s0 =	rddreg [dreg:$0x0];
	s2 =	stileid.u32  }
0x77: {  	s1 =	rddreg [dreg:$0x1];
	p0 =	sne.s32 s2, $0x0  }
0x78: {  	s3 =	rddreg [dreg:$0x2];
	[bflag:$0x3] =	sbarrier.arrive $0xFFFF;
	s2 =	simm.s32 @!p0 $0x1C05  }
0x79: {  	[timem:s3], [sflag:s2] =	dma.local @!p0 [hbm:s0], s1  }
0x7a: {  	s0 =	simm.s32 @!p0 $0x5  }
0x7b: {  	_ =	swait.ge @!p0 [sflag:s0], s1  }
0x7c: {  	s1 =	ssub.s32 @!p0 $0x0, s1;
	[sflag:s0] =	ssyncset.done @!p0 $0x0  }
0x7d: {  	[sflag:s0] =	ssyncadd.s32 @!p0 s1  }
0x7e: {  	[bflag:$0x3] =	sbarrier.arrive $0xFFFF  }
0x7f: {  	_ =	shalt  }

</sc_bundles>
